<compile_context>
chip_gen: v7x
topology: tpu7x:2x2x1
jax: 0.10.2.dev20260603
libtpu: 0.0.44.dev20260713+nightly
codegen_flags: <defaults>
</compile_context>

<pallas_src>
import functools

import jax
import jax.numpy as jnp
from jax import lax
from jax.experimental import pallas as pl
from jax.experimental.pallas import tpu as pltpu
from jax.experimental.pallas import tpu_sc as plsc

_LANES = 16
_CHUNK = 128


def _make_sc_gather(B, L, F, NC, NI, num_workers):
    rows_per_w = B // num_workers
    chunks_per_w = (rows_per_w * L) // _CHUNK

    mesh = plsc.VectorSubcoreMesh(core_axis_name="c", subcore_axis_name="s")

    @functools.partial(
        pl.kernel,
        out_type=[
            jax.ShapeDtypeStruct((B, F), jnp.float32),
            jax.ShapeDtypeStruct((L, B), jnp.float32),
        ],
        mesh=mesh,
        scratch_types=[
            pltpu.VMEM((rows_per_w,), jnp.int32),
            pltpu.VMEM((rows_per_w, F), jnp.float32),
            pltpu.VMEM((chunks_per_w, _CHUNK), jnp.int32),
            pltpu.VMEM((chunks_per_w, _CHUNK), jnp.int32),
            pltpu.VMEM((chunks_per_w, _CHUNK), jnp.float32),
            pltpu.VMEM((chunks_per_w, _CHUNK), jnp.float32),
            pltpu.VMEM((NI,), jnp.float32),
            pltpu.SemaphoreType.DMA,
            pltpu.SemaphoreType.DMA,
        ],
        compiler_params=pltpu.CompilerParams(
            needs_layout_passes=False, use_tc_tiling_on_sc=False),
    )
    def sc_gather(choosers_hbm, fidx_hbm, items_hbm, thetas_hbm, inter_hbm,
                  gint_hbm, theta_out_hbm, inter_out_hbm,
                  cid_v, rows_v, fidx_v, items_v, gath_v, res_v, gint_v,
                  sem, sem2):
        wid = lax.axis_index("s") * 2 + lax.axis_index("c")
        rbase = wid * rows_per_w

        pltpu.sync_copy(choosers_hbm.at[pl.ds(rbase, rows_per_w)], cid_v)
        theta_cp = pltpu.async_copy(thetas_hbm.at[cid_v], rows_v, sem2)

        pltpu.sync_copy(fidx_hbm.at[wid], fidx_v)
        pltpu.sync_copy(items_hbm.at[wid], items_v)
        pltpu.sync_copy(gint_hbm, gint_v)

        group = 10
        for g in range(chunks_per_w // group):
            cps = [
                pltpu.async_copy(
                    inter_hbm.at[fidx_v.at[g * group + j]],
                    gath_v.at[g * group + j], sem)
                for j in range(group)
            ]
            for cp in cps:
                cp.wait()

        theta_cp.wait()
        pltpu.sync_copy(rows_v, theta_out_hbm.at[pl.ds(rbase, rows_per_w)])

        def body(i, carry):
            r = i // (_CHUNK // _LANES)
            j = i % (_CHUNK // _LANES)
            it16 = items_v[r, pl.ds(j * _LANES, _LANES)]
            g16 = plsc.load_gather(gint_v, [it16])
            res_v[r, pl.ds(j * _LANES, _LANES)] = (
                gath_v[r, pl.ds(j * _LANES, _LANES)] + g16)
            return carry

        lax.fori_loop(0, chunks_per_w * (_CHUNK // _LANES), body, 0)
        pltpu.sync_copy(res_v, inter_out_hbm.at[:, pl.ds(rbase, rows_per_w)])

    return sc_gather


def _tc_body(feat_ref, thetaT_ref, inter_ref, sz_ref, out_ref):
    w = thetaT_ref[...]
    u = jnp.sum(feat_ref[...] * w[None, :, :], axis=1)
    u = u + inter_ref[...]
    iota = lax.broadcasted_iota(jnp.int32, u.shape, 0)
    u = jnp.where(iota >= sz_ref[...], -jnp.inf, u)
    m = jnp.max(u, axis=0, keepdims=True)
    e = jnp.exp(u - m)
    out_ref[...] = (u - m) - jnp.log(jnp.sum(e, axis=0, keepdims=True))


def kernel(choice_set_features, choice_set_sizes, choosers, choice_sets,
           thetas, global_theta, intercepts, global_intercept):
    B, L, F = choice_set_features.shape
    NC, NI = intercepts.shape

    choosers = choosers.astype(jnp.int32)
    items = choice_sets.astype(jnp.int32)
    nw = 32
    interT_flat = jnp.transpose(intercepts).reshape(-1)
    fidx = items * NC + choosers[:, None]
    fidxT3 = fidx.T.reshape(L, nw, B // nw).transpose(1, 0, 2)
    itemsT3 = items.T.reshape(L, nw, B // nw).transpose(1, 0, 2)

    sc_gather = _make_sc_gather(B, L, F, NC, NI, num_workers=nw)
    per_theta, interT = sc_gather(
        choosers, fidxT3, itemsT3, thetas, interT_flat, global_intercept)

    featT = jnp.transpose(choice_set_features, (1, 2, 0))
    wT = (per_theta + global_theta[None, :]).T

    BB = 512
    outT = pl.pallas_call(
        _tc_body,
        grid=(B // BB,),
        in_specs=[
            pl.BlockSpec((L, F, BB), lambda i: (0, 0, i)),
            pl.BlockSpec((F, BB), lambda i: (0, i)),
            pl.BlockSpec((L, BB), lambda i: (0, i)),
            pl.BlockSpec((1, BB), lambda i: (0, i)),
        ],
        out_specs=pl.BlockSpec((L, BB), lambda i: (0, i)),
        out_shape=jax.ShapeDtypeStruct((L, B), jnp.float32),
    )(featT, wT, interT, choice_set_sizes.astype(jnp.int32).reshape(1, B))
    return outT.T

# --- scband reference (transcript-rebuilt; emitter-appended) ---
"""Pipeline reference for scband-per-chooser-conditional-logit-31224412242633 (READ-ONLY COPY).

The authoritative reference and input builder live on the scoring server;
editing this copy changes nothing except your own understanding.
"""

import jax, jax.numpy as jnp
import numpy as np

B, L, F = 4096, 50, 64
NC, NI = 100000, 1000

def setup_inputs(seed: int = 0) -> dict:
    key = jax.random.key(seed)
    k1, k2, k3, k4, k5, k6, k7, k8 = jax.random.split(key, 8)
    choice_set_features = jax.random.normal(k1, (B, L, F), dtype=jnp.float32)
    # clamp sizes to >=1 so no choice set is fully masked (avoids all -inf rows -> NaN)
    choice_set_sizes = jnp.maximum(jax.random.randint(k2, (B,), 0, L), 1)
    choosers = jax.random.randint(k3, (B,), 0, NC)
    choice_sets = jax.random.randint(k4, (B, L), 0, NI)
    # learned parameters (module inits to zeros; use small random values for a nontrivial reference)
    thetas = jax.random.normal(k5, (NC, F), dtype=jnp.float32) * 0.02
    global_theta = jax.random.normal(k6, (F,), dtype=jnp.float32) * 0.02
    intercepts = jax.random.normal(k7, (NC, NI), dtype=jnp.float32) * 0.02
    global_intercept = jax.random.normal(k8, (NI,), dtype=jnp.float32) * 0.02
    return {
        'choice_set_features': choice_set_features,
        'choice_set_sizes': choice_set_sizes,
        'choosers': choosers,
        'choice_sets': choice_sets,
        'thetas': thetas,
        'global_theta': global_theta,
        'intercepts': intercepts,
        'global_intercept': global_intercept,
    }

def reference(choice_set_features, choice_set_sizes, choosers, choice_sets,
              thetas, global_theta, intercepts, global_intercept):
    batch_size, max_len, num_feats = choice_set_features.shape
    # per-chooser theta gather + utility
    per_theta = jnp.take(thetas, choosers, axis=0)  # [B, F]
    utilities = ((global_theta[None, None, :] + per_theta[:, None, :]) * choice_set_features).sum(-1)  # [B, L]
    # mask padding positions
    mask = jnp.arange(max_len)[None, :] >= choice_set_sizes[:, None]  # [B, L]
    utilities = jnp.where(mask, -jnp.inf, utilities)
    # per-chooser item intercepts: gather rows then gather along items
    per_intercepts = jnp.take(intercepts, choosers, axis=0)  # [B, NI]
    utilities = utilities + jnp.take_along_axis(per_intercepts, choice_sets, axis=1)
    # global item intercepts only at valid positions
    utilities = utilities + jnp.where(~mask, jnp.take(global_intercept, choice_sets, axis=0), 0.0)
    return jax.nn.log_softmax(utilities, axis=1)

if __name__ == "__main__":
    import jax
    _d = setup_inputs()
    print(jax.jit(kernel)(*tuple(_d.values())))

</pallas_src>

<mosaic_0001>
#map = affine_map<(d0, d1) -> (0)>
#map1 = affine_map<(d0, d1) -> (0, 0, 0)>
#map2 = affine_map<(d0, d1) -> (0, 0)>
module attributes {stable_mosaic.version = 14 : i64} {
  func.func @sc_gather(%arg0: i32, %arg1: i32, %arg2: memref<4096xi32, #tpu.memory_space<hbm>>, %arg3: memref<32x50x128xi32, #tpu.memory_space<hbm>>, %arg4: memref<32x50x128xi32, #tpu.memory_space<hbm>>, %arg5: memref<100000x64xf32, #tpu.memory_space<hbm>>, %arg6: memref<100000000xf32, #tpu.memory_space<hbm>>, %arg7: memref<1000xf32, #tpu.memory_space<hbm>>, %arg8: memref<4096x64xf32, #tpu.memory_space<hbm>>, %arg9: memref<50x4096xf32, #tpu.memory_space<hbm>>, %arg10: memref<128xi32, #tpu.memory_space<vmem>>, %arg11: memref<128x64xf32, #tpu.memory_space<vmem>>, %arg12: memref<50x128xi32, #tpu.memory_space<vmem>>, %arg13: memref<50x128xi32, #tpu.memory_space<vmem>>, %arg14: memref<50x128xf32, #tpu.memory_space<vmem>>, %arg15: memref<50x128xf32, #tpu.memory_space<vmem>>, %arg16: memref<1000xf32, #tpu.memory_space<vmem>>, %arg17: memref<!tpu.dma_semaphore, #tpu.memory_space<semaphore_mem>>, %arg18: memref<!tpu.dma_semaphore, #tpu.memory_space<semaphore_mem>>) attributes {dimension_semantics = [#tpu.dimension_semantics<core_parallel>, #tpu.dimension_semantics<subcore_parallel>], iteration_bounds = array<i64: 2, 16>, scalar_prefetch = 0 : i64, scratch_operands = 9 : i64, tpu.core_type = #tpu.core_type<sc_vector_subcore>, window_params = [{transform_indices = #map}, {transform_indices = #map1}, {transform_indices = #map1}, {transform_indices = #map2}, {transform_indices = #map}, {transform_indices = #map}, {transform_indices = #map2}, {transform_indices = #map2}]} {
    %mul3A = arith.constant 2 : i32
    %mul3A_0 = arith.muli %arg1, %mul3A : i32
    %add3A = arith.addi %mul3A_0, %arg0 : i32
    %mul3A_1 = arith.constant 128 : i32
    %mul3A_2 = arith.muli %add3A, %mul3A_1 : i32
    "tpu.region"() ({
      %run_scoped3A = tpu.sem_alloc : memref<!tpu.dma_semaphore, #tpu.memory_space<semaphore_mem>>
      %dma_start3A_1012 = tpu.memref_slice %arg2[%mul3A_2] : memref<4096xi32, #tpu.memory_space<hbm>> -> memref<128xi32, #tpu.memory_space<hbm>>
      %dma_start3A_1013 = tpu.memref_slice %arg2[%mul3A_2] : memref<4096xi32, #tpu.memory_space<hbm>> -> memref<128xi32, #tpu.memory_space<hbm>>
      tpu.enqueue_dma source(%dma_start3A_1013 : memref<128xi32, #tpu.memory_space<hbm>>) target(%arg10 : memref<128xi32, #tpu.memory_space<vmem>>) target_semaphore(%run_scoped3A : memref<!tpu.dma_semaphore, #tpu.memory_space<semaphore_mem>>)
      %dma_wait3A_1014 = tpu.memref_slice %arg2[%mul3A_2] : memref<4096xi32, #tpu.memory_space<hbm>> -> memref<128xi32, #tpu.memory_space<hbm>>
      %dma_wait3A_1015 = tpu.memref_slice %arg2[%mul3A_2] : memref<4096xi32, #tpu.memory_space<hbm>> -> memref<128xi32, #tpu.memory_space<hbm>>
      tpu.wait_dma2 semaphore(%run_scoped3A : memref<!tpu.dma_semaphore, #tpu.memory_space<semaphore_mem>>) src(%dma_wait3A_1015 : memref<128xi32, #tpu.memory_space<hbm>>) dst(%arg10 : memref<128xi32, #tpu.memory_space<vmem>>)
      tpu.yield
    }) : () -> ()
    %dma_start3A = arith.constant 0 : i32
    %dma_start3A_3 = arith.constant 0 : i32
    %dma_start3A_4 = tpu.memref_slice %arg5[%dma_start3A, %dma_start3A_3] : memref<100000x64xf32, #tpu.memory_space<hbm>> -> memref<100000x64xf32, #tpu.memory_space<hbm>>
    tpu.enqueue_indirect_dma source(%dma_start3A_4 : memref<100000x64xf32, #tpu.memory_space<hbm>>) target(%arg11 : memref<128x64xf32, #tpu.memory_space<vmem>>) offsets(%arg10 : memref<128xi32, #tpu.memory_space<vmem>>) semaphore(%arg18 : memref<!tpu.dma_semaphore, #tpu.memory_space<semaphore_mem>>)
    "tpu.region"() ({
      %run_scoped3A = tpu.sem_alloc : memref<!tpu.dma_semaphore, #tpu.memory_space<semaphore_mem>>
      %dma_start3A_1012 = arith.constant 0 : i32
      %dma_start3A_1013 = arith.constant 0 : i32
      %dma_start3A_1014 = tpu.memref_slice %arg3[%add3A, %dma_start3A_1012, %dma_start3A_1013] : memref<32x50x128xi32, #tpu.memory_space<hbm>> -> memref<1x50x128xi32, #tpu.memory_space<hbm>>
      %dma_start3A_1015 = tpu.memref_squeeze %dma_start3A_1014 : memref<1x50x128xi32, #tpu.memory_space<hbm>> -> memref<50x128xi32, #tpu.memory_space<hbm>>
      %dma_start3A_1016 = arith.constant 0 : i32
      %dma_start3A_1017 = arith.constant 0 : i32
      %dma_start3A_1018 = tpu.memref_slice %arg3[%add3A, %dma_start3A_1016, %dma_start3A_1017] : memref<32x50x128xi32, #tpu.memory_space<hbm>> -> memref<1x50x128xi32, #tpu.memory_space<hbm>>
      %dma_start3A_1019 = tpu.memref_squeeze %dma_start3A_1018 : memref<1x50x128xi32, #tpu.memory_space<hbm>> -> memref<50x128xi32, #tpu.memory_space<hbm>>
      tpu.enqueue_dma source(%dma_start3A_1019 : memref<50x128xi32, #tpu.memory_space<hbm>>) target(%arg12 : memref<50x128xi32, #tpu.memory_space<vmem>>) target_semaphore(%run_scoped3A : memref<!tpu.dma_semaphore, #tpu.memory_space<semaphore_mem>>)
      %dma_wait3A_1020 = arith.constant 0 : i32
      %dma_wait3A_1021 = arith.constant 0 : i32
      %dma_wait3A_1022 = tpu.memref_slice %arg3[%add3A, %dma_wait3A_1020, %dma_wait3A_1021] : memref<32x50x128xi32, #tpu.memory_space<hbm>> -> memref<1x50x128xi32, #tpu.memory_space<hbm>>
      %dma_wait3A_1023 = tpu.memref_squeeze %dma_wait3A_1022 : memref<1x50x128xi32, #tpu.memory_space<hbm>> -> memref<50x128xi32, #tpu.memory_space<hbm>>
      %dma_wait3A_1024 = arith.constant 0 : i32
      %dma_wait3A_1025 = arith.constant 0 : i32
      %dma_wait3A_1026 = tpu.memref_slice %arg3[%add3A, %dma_wait3A_1024, %dma_wait3A_1025] : memref<32x50x128xi32, #tpu.memory_space<hbm>> -> memref<1x50x128xi32, #tpu.memory_space<hbm>>
      %dma_wait3A_1027 = tpu.memref_squeeze %dma_wait3A_1026 : memref<1x50x128xi32, #tpu.memory_space<hbm>> -> memref<50x128xi32, #tpu.memory_space<hbm>>
      tpu.wait_dma2 semaphore(%run_scoped3A : memref<!tpu.dma_semaphore, #tpu.memory_space<semaphore_mem>>) src(%dma_wait3A_1027 : memref<50x128xi32, #tpu.memory_space<hbm>>) dst(%arg12 : memref<50x128xi32, #tpu.memory_space<vmem>>)
      tpu.yield
    }) : () -> ()
    "tpu.region"() ({
      %run_scoped3A = tpu.sem_alloc : memref<!tpu.dma_semaphore, #tpu.memory_space<semaphore_mem>>
      %dma_start3A_1012 = arith.constant 0 : i32
      %dma_start3A_1013 = arith.constant 0 : i32
      %dma_start3A_1014 = tpu.memref_slice %arg4[%add3A, %dma_start3A_1012, %dma_start3A_1013] : memref<32x50x128xi32, #tpu.memory_space<hbm>> -> memref<1x50x128xi32, #tpu.memory_space<hbm>>
      %dma_start3A_1015 = tpu.memref_squeeze %dma_start3A_1014 : memref<1x50x128xi32, #tpu.memory_space<hbm>> -> memref<50x128xi32, #tpu.memory_space<hbm>>
      %dma_start3A_1016 = arith.constant 0 : i32
      %dma_start3A_1017 = arith.constant 0 : i32
      %dma_start3A_1018 = tpu.memref_slice %arg4[%add3A, %dma_start3A_1016, %dma_start3A_1017] : memref<32x50x128xi32, #tpu.memory_space<hbm>> -> memref<1x50x128xi32, #tpu.memory_space<hbm>>
      %dma_start3A_1019 = tpu.memref_squeeze %dma_start3A_1018 : memref<1x50x128xi32, #tpu.memory_space<hbm>> -> memref<50x128xi32, #tpu.memory_space<hbm>>
      tpu.enqueue_dma source(%dma_start3A_1019 : memref<50x128xi32, #tpu.memory_space<hbm>>) target(%arg13 : memref<50x128xi32, #tpu.memory_space<vmem>>) target_semaphore(%run_scoped3A : memref<!tpu.dma_semaphore, #tpu.memory_space<semaphore_mem>>)
      %dma_wait3A_1020 = arith.constant 0 : i32
      %dma_wait3A_1021 = arith.constant 0 : i32
      %dma_wait3A_1022 = tpu.memref_slice %arg4[%add3A, %dma_wait3A_1020, %dma_wait3A_1021] : memref<32x50x128xi32, #tpu.memory_space<hbm>> -> memref<1x50x128xi32, #tpu.memory_space<hbm>>
      %dma_wait3A_1023 = tpu.memref_squeeze %dma_wait3A_1022 : memref<1x50x128xi32, #tpu.memory_space<hbm>> -> memref<50x128xi32, #tpu.memory_space<hbm>>
      %dma_wait3A_1024 = arith.constant 0 : i32
      %dma_wait3A_1025 = arith.constant 0 : i32
      %dma_wait3A_1026 = tpu.memref_slice %arg4[%add3A, %dma_wait3A_1024, %dma_wait3A_1025] : memref<32x50x128xi32, #tpu.memory_space<hbm>> -> memref<1x50x128xi32, #tpu.memory_space<hbm>>
      %dma_wait3A_1027 = tpu.memref_squeeze %dma_wait3A_1026 : memref<1x50x128xi32, #tpu.memory_space<hbm>> -> memref<50x128xi32, #tpu.memory_space<hbm>>
      tpu.wait_dma2 semaphore(%run_scoped3A : memref<!tpu.dma_semaphore, #tpu.memory_space<semaphore_mem>>) src(%dma_wait3A_1027 : memref<50x128xi32, #tpu.memory_space<hbm>>) dst(%arg13 : memref<50x128xi32, #tpu.memory_space<vmem>>)
      tpu.yield
    }) : () -> ()
    "tpu.region"() ({
      %run_scoped3A = tpu.sem_alloc : memref<!tpu.dma_semaphore, #tpu.memory_space<semaphore_mem>>
      tpu.enqueue_dma source(%arg7 : memref<1000xf32, #tpu.memory_space<hbm>>) target(%arg16 : memref<1000xf32, #tpu.memory_space<vmem>>) target_semaphore(%run_scoped3A : memref<!tpu.dma_semaphore, #tpu.memory_space<semaphore_mem>>)
      tpu.wait_dma2 semaphore(%run_scoped3A : memref<!tpu.dma_semaphore, #tpu.memory_space<semaphore_mem>>) src(%arg7 : memref<1000xf32, #tpu.memory_space<hbm>>) dst(%arg16 : memref<1000xf32, #tpu.memory_space<vmem>>)
      tpu.yield
    }) : () -> ()
    %dma_start3A_5 = arith.constant 0 : i32
    %dma_start3A_6 = arith.constant 0 : i32
    %dma_start3A_7 = arith.constant 0 : i32
    %dma_start3A_8 = tpu.memref_slice %arg14[%dma_start3A_6, %dma_start3A_7] : memref<50x128xf32, #tpu.memory_space<vmem>> -> memref<1x128xf32, #tpu.memory_space<vmem>>
    %dma_start3A_9 = tpu.memref_squeeze %dma_start3A_8 : memref<1x128xf32, #tpu.memory_space<vmem>> -> memref<128xf32, #tpu.memory_space<vmem>>
    %dma_start3A_10 = arith.constant 0 : i32
    %dma_start3A_11 = tpu.memref_slice %arg12[%dma_start3A_5, %dma_start3A_10] : memref<50x128xi32, #tpu.memory_space<vmem>> -> memref<1x128xi32, #tpu.memory_space<vmem>>
    %dma_start3A_12 = tpu.memref_squeeze %dma_start3A_11 : memref<1x128xi32, #tpu.memory_space<vmem>> -> memref<128xi32, #tpu.memory_space<vmem>>
    %dma_start3A_13 = arith.constant 0 : i32
    %dma_start3A_14 = tpu.memref_slice %arg6[%dma_start3A_13] : memref<100000000xf32, #tpu.memory_space<hbm>> -> memref<100000000xf32, #tpu.memory_space<hbm>>
    tpu.enqueue_indirect_dma source(%dma_start3A_14 : memref<100000000xf32, #tpu.memory_space<hbm>>) target(%dma_start3A_9 : memref<128xf32, #tpu.memory_space<vmem>>) offsets(%dma_start3A_12 : memref<128xi32, #tpu.memory_space<vmem>>) semaphore(%arg17 : memref<!tpu.dma_semaphore, #tpu.memory_space<semaphore_mem>>)
    %dma_start3A_15 = arith.constant 1 : i32
    %dma_start3A_16 = arith.constant 1 : i32
    %dma_start3A_17 = arith.constant 0 : i32
    %dma_start3A_18 = tpu.memref_slice %arg14[%dma_start3A_16, %dma_start3A_17] : memref<50x128xf32, #tpu.memory_space<vmem>> -> memref<1x128xf32, #tpu.memory_space<vmem>>
    %dma_start3A_19 = tpu.memref_squeeze %dma_start3A_18 : memref<1x128xf32, #tpu.memory_space<vmem>> -> memref<128xf32, #tpu.memory_space<vmem>>
    %dma_start3A_20 = arith.constant 0 : i32
    %dma_start3A_21 = tpu.memref_slice %arg12[%dma_start3A_15, %dma_start3A_20] : memref<50x128xi32, #tpu.memory_space<vmem>> -> memref<1x128xi32, #tpu.memory_space<vmem>>
    %dma_start3A_22 = tpu.memref_squeeze %dma_start3A_21 : memref<1x128xi32, #tpu.memory_space<vmem>> -> memref<128xi32, #tpu.memory_space<vmem>>
    %dma_start3A_23 = arith.constant 0 : i32
    %dma_start3A_24 = tpu.memref_slice %arg6[%dma_start3A_23] : memref<100000000xf32, #tpu.memory_space<hbm>> -> memref<100000000xf32, #tpu.memory_space<hbm>>
    tpu.enqueue_indirect_dma source(%dma_start3A_24 : memref<100000000xf32, #tpu.memory_space<hbm>>) target(%dma_start3A_19 : memref<128xf32, #tpu.memory_space<vmem>>) offsets(%dma_start3A_22 : memref<128xi32, #tpu.memory_space<vmem>>) semaphore(%arg17 : memref<!tpu.dma_semaphore, #tpu.memory_space<semaphore_mem>>)
    %dma_start3A_25 = arith.constant 2 : i32
    %dma_start3A_26 = arith.constant 2 : i32
    %dma_start3A_27 = arith.constant 0 : i32
    %dma_start3A_28 = tpu.memref_slice %arg14[%dma_start3A_26, %dma_start3A_27] : memref<50x128xf32, #tpu.memory_space<vmem>> -> memref<1x128xf32, #tpu.memory_space<vmem>>
    %dma_start3A_29 = tpu.memref_squeeze %dma_start3A_28 : memref<1x128xf32, #tpu.memory_space<vmem>> -> memref<128xf32, #tpu.memory_space<vmem>>
    %dma_start3A_30 = arith.constant 0 : i32
    %dma_start3A_31 = tpu.memref_slice %arg12[%dma_start3A_25, %dma_start3A_30] : memref<50x128xi32, #tpu.memory_space<vmem>> -> memref<1x128xi32, #tpu.memory_space<vmem>>
    %dma_start3A_32 = tpu.memref_squeeze %dma_start3A_31 : memref<1x128xi32, #tpu.memory_space<vmem>> -> memref<128xi32, #tpu.memory_space<vmem>>
    %dma_start3A_33 = arith.constant 0 : i32
    %dma_start3A_34 = tpu.memref_slice %arg6[%dma_start3A_33] : memref<100000000xf32, #tpu.memory_space<hbm>> -> memref<100000000xf32, #tpu.memory_space<hbm>>
    tpu.enqueue_indirect_dma source(%dma_start3A_34 : memref<100000000xf32, #tpu.memory_space<hbm>>) target(%dma_start3A_29 : memref<128xf32, #tpu.memory_space<vmem>>) offsets(%dma_start3A_32 : memref<128xi32, #tpu.memory_space<vmem>>) semaphore(%arg17 : memref<!tpu.dma_semaphore, #tpu.memory_space<semaphore_mem>>)
    %dma_start3A_35 = arith.constant 3 : i32
    %dma_start3A_36 = arith.constant 3 : i32
    %dma_start3A_37 = arith.constant 0 : i32
    %dma_start3A_38 = tpu.memref_slice %arg14[%dma_start3A_36, %dma_start3A_37] : memref<50x128xf32, #tpu.memory_space<vmem>> -> memref<1x128xf32, #tpu.memory_space<vmem>>
    %dma_start3A_39 = tpu.memref_squeeze %dma_start3A_38 : memref<1x128xf32, #tpu.memory_space<vmem>> -> memref<128xf32, #tpu.memory_space<vmem>>
    %dma_start3A_40 = arith.constant 0 : i32
    %dma_start3A_41 = tpu.memref_slice %arg12[%dma_start3A_35, %dma_start3A_40] : memref<50x128xi32, #tpu.memory_space<vmem>> -> memref<1x128xi32, #tpu.memory_space<vmem>>
    %dma_start3A_42 = tpu.memref_squeeze %dma_start3A_41 : memref<1x128xi32, #tpu.memory_space<vmem>> -> memref<128xi32, #tpu.memory_space<vmem>>
    %dma_start3A_43 = arith.constant 0 : i32
    %dma_start3A_44 = tpu.memref_slice %arg6[%dma_start3A_43] : memref<100000000xf32, #tpu.memory_space<hbm>> -> memref<100000000xf32, #tpu.memory_space<hbm>>
    tpu.enqueue_indirect_dma source(%dma_start3A_44 : memref<100000000xf32, #tpu.memory_space<hbm>>) target(%dma_start3A_39 : memref<128xf32, #tpu.memory_space<vmem>>) offsets(%dma_start3A_42 : memref<128xi32, #tpu.memory_space<vmem>>) semaphore(%arg17 : memref<!tpu.dma_semaphore, #tpu.memory_space<semaphore_mem>>)
    %dma_start3A_45 = arith.constant 4 : i32
    %dma_start3A_46 = arith.constant 4 : i32
    %dma_start3A_47 = arith.constant 0 : i32
    %dma_start3A_48 = tpu.memref_slice %arg14[%dma_start3A_46, %dma_start3A_47] : memref<50x128xf32, #tpu.memory_space<vmem>> -> memref<1x128xf32, #tpu.memory_space<vmem>>
    %dma_start3A_49 = tpu.memref_squeeze %dma_start3A_48 : memref<1x128xf32, #tpu.memory_space<vmem>> -> memref<128xf32, #tpu.memory_space<vmem>>
    %dma_start3A_50 = arith.constant 0 : i32
    %dma_start3A_51 = tpu.memref_slice %arg12[%dma_start3A_45, %dma_start3A_50] : memref<50x128xi32, #tpu.memory_space<vmem>> -> memref<1x128xi32, #tpu.memory_space<vmem>>
    %dma_start3A_52 = tpu.memref_squeeze %dma_start3A_51 : memref<1x128xi32, #tpu.memory_space<vmem>> -> memref<128xi32, #tpu.memory_space<vmem>>
    %dma_start3A_53 = arith.constant 0 : i32
    %dma_start3A_54 = tpu.memref_slice %arg6[%dma_start3A_53] : memref<100000000xf32, #tpu.memory_space<hbm>> -> memref<100000000xf32, #tpu.memory_space<hbm>>
    tpu.enqueue_indirect_dma source(%dma_start3A_54 : memref<100000000xf32, #tpu.memory_space<hbm>>) target(%dma_start3A_49 : memref<128xf32, #tpu.memory_space<vmem>>) offsets(%dma_start3A_52 : memref<128xi32, #tpu.memory_space<vmem>>) semaphore(%arg17 : memref<!tpu.dma_semaphore, #tpu.memory_space<semaphore_mem>>)
    %dma_start3A_55 = arith.constant 5 : i32
    %dma_start3A_56 = arith.constant 5 : i32
    %dma_start3A_57 = arith.constant 0 : i32
    %dma_start3A_58 = tpu.memref_slice %arg14[%dma_start3A_56, %dma_start3A_57] : memref<50x128xf32, #tpu.memory_space<vmem>> -> memref<1x128xf32, #tpu.memory_space<vmem>>
    %dma_start3A_59 = tpu.memref_squeeze %dma_start3A_58 : memref<1x128xf32, #tpu.memory_space<vmem>> -> memref<128xf32, #tpu.memory_space<vmem>>
    %dma_start3A_60 = arith.constant 0 : i32
    %dma_start3A_61 = tpu.memref_slice %arg12[%dma_start3A_55, %dma_start3A_60] : memref<50x128xi32, #tpu.memory_space<vmem>> -> memref<1x128xi32, #tpu.memory_space<vmem>>
    %dma_start3A_62 = tpu.memref_squeeze %dma_start3A_61 : memref<1x128xi32, #tpu.memory_space<vmem>> -> memref<128xi32, #tpu.memory_space<vmem>>
    %dma_start3A_63 = arith.constant 0 : i32
    %dma_start3A_64 = tpu.memref_slice %arg6[%dma_start3A_63] : memref<100000000xf32, #tpu.memory_space<hbm>> -> memref<100000000xf32, #tpu.memory_space<hbm>>
    tpu.enqueue_indirect_dma source(%dma_start3A_64 : memref<100000000xf32, #tpu.memory_space<hbm>>) target(%dma_start3A_59 : memref<128xf32, #tpu.memory_space<vmem>>) offsets(%dma_start3A_62 : memref<128xi32, #tpu.memory_space<vmem>>) semaphore(%arg17 : memref<!tpu.dma_semaphore, #tpu.memory_space<semaphore_mem>>)
    %dma_start3A_65 = arith.constant 6 : i32
    %dma_start3A_66 = arith.constant 6 : i32
    %dma_start3A_67 = arith.constant 0 : i32
    %dma_start3A_68 = tpu.memref_slice %arg14[%dma_start3A_66, %dma_start3A_67] : memref<50x128xf32, #tpu.memory_space<vmem>> -> memref<1x128xf32, #tpu.memory_space<vmem>>
    %dma_start3A_69 = tpu.memref_squeeze %dma_start3A_68 : memref<1x128xf32, #tpu.memory_space<vmem>> -> memref<128xf32, #tpu.memory_space<vmem>>
    %dma_start3A_70 = arith.constant 0 : i32
    %dma_start3A_71 = tpu.memref_slice %arg12[%dma_start3A_65, %dma_start3A_70] : memref<50x128xi32, #tpu.memory_space<vmem>> -> memref<1x128xi32, #tpu.memory_space<vmem>>
    %dma_start3A_72 = tpu.memref_squeeze %dma_start3A_71 : memref<1x128xi32, #tpu.memory_space<vmem>> -> memref<128xi32, #tpu.memory_space<vmem>>
    %dma_start3A_73 = arith.constant 0 : i32
    %dma_start3A_74 = tpu.memref_slice %arg6[%dma_start3A_73] : memref<100000000xf32, #tpu.memory_space<hbm>> -> memref<100000000xf32, #tpu.memory_space<hbm>>
    tpu.enqueue_indirect_dma source(%dma_start3A_74 : memref<100000000xf32, #tpu.memory_space<hbm>>) target(%dma_start3A_69 : memref<128xf32, #tpu.memory_space<vmem>>) offsets(%dma_start3A_72 : memref<128xi32, #tpu.memory_space<vmem>>) semaphore(%arg17 : memref<!tpu.dma_semaphore, #tpu.memory_space<semaphore_mem>>)
    %dma_start3A_75 = arith.constant 7 : i32
    %dma_start3A_76 = arith.constant 7 : i32
    %dma_start3A_77 = arith.constant 0 : i32
    %dma_start3A_78 = tpu.memref_slice %arg14[%dma_start3A_76, %dma_start3A_77] : memref<50x128xf32, #tpu.memory_space<vmem>> -> memref<1x128xf32, #tpu.memory_space<vmem>>
    %dma_start3A_79 = tpu.memref_squeeze %dma_start3A_78 : memref<1x128xf32, #tpu.memory_space<vmem>> -> memref<128xf32, #tpu.memory_space<vmem>>
    %dma_start3A_80 = arith.constant 0 : i32
    %dma_start3A_81 = tpu.memref_slice %arg12[%dma_start3A_75, %dma_start3A_80] : memref<50x128xi32, #tpu.memory_space<vmem>> -> memref<1x128xi32, #tpu.memory_space<vmem>>
    %dma_start3A_82 = tpu.memref_squeeze %dma_start3A_81 : memref<1x128xi32, #tpu.memory_space<vmem>> -> memref<128xi32, #tpu.memory_space<vmem>>
    %dma_start3A_83 = arith.constant 0 : i32
    %dma_start3A_84 = tpu.memref_slice %arg6[%dma_start3A_83] : memref<100000000xf32, #tpu.memory_space<hbm>> -> memref<100000000xf32, #tpu.memory_space<hbm>>
    tpu.enqueue_indirect_dma source(%dma_start3A_84 : memref<100000000xf32, #tpu.memory_space<hbm>>) target(%dma_start3A_79 : memref<128xf32, #tpu.memory_space<vmem>>) offsets(%dma_start3A_82 : memref<128xi32, #tpu.memory_space<vmem>>) semaphore(%arg17 : memref<!tpu.dma_semaphore, #tpu.memory_space<semaphore_mem>>)
    %dma_start3A_85 = arith.constant 8 : i32
    %dma_start3A_86 = arith.constant 8 : i32
    %dma_start3A_87 = arith.constant 0 : i32
    %dma_start3A_88 = tpu.memref_slice %arg14[%dma_start3A_86, %dma_start3A_87] : memref<50x128xf32, #tpu.memory_space<vmem>> -> memref<1x128xf32, #tpu.memory_space<vmem>>
    %dma_start3A_89 = tpu.memref_squeeze %dma_start3A_88 : memref<1x128xf32, #tpu.memory_space<vmem>> -> memref<128xf32, #tpu.memory_space<vmem>>
    %dma_start3A_90 = arith.constant 0 : i32
    %dma_start3A_91 = tpu.memref_slice %arg12[%dma_start3A_85, %dma_start3A_90] : memref<50x128xi32, #tpu.memory_space<vmem>> -> memref<1x128xi32, #tpu.memory_space<vmem>>
    %dma_start3A_92 = tpu.memref_squeeze %dma_start3A_91 : memref<1x128xi32, #tpu.memory_space<vmem>> -> memref<128xi32, #tpu.memory_space<vmem>>
    %dma_start3A_93 = arith.constant 0 : i32
    %dma_start3A_94 = tpu.memref_slice %arg6[%dma_start3A_93] : memref<100000000xf32, #tpu.memory_space<hbm>> -> memref<100000000xf32, #tpu.memory_space<hbm>>
    tpu.enqueue_indirect_dma source(%dma_start3A_94 : memref<100000000xf32, #tpu.memory_space<hbm>>) target(%dma_start3A_89 : memref<128xf32, #tpu.memory_space<vmem>>) offsets(%dma_start3A_92 : memref<128xi32, #tpu.memory_space<vmem>>) semaphore(%arg17 : memref<!tpu.dma_semaphore, #tpu.memory_space<semaphore_mem>>)
    %dma_start3A_95 = arith.constant 9 : i32
    %dma_start3A_96 = arith.constant 9 : i32
    %dma_start3A_97 = arith.constant 0 : i32
    %dma_start3A_98 = tpu.memref_slice %arg14[%dma_start3A_96, %dma_start3A_97] : memref<50x128xf32, #tpu.memory_space<vmem>> -> memref<1x128xf32, #tpu.memory_space<vmem>>
    %dma_start3A_99 = tpu.memref_squeeze %dma_start3A_98 : memref<1x128xf32, #tpu.memory_space<vmem>> -> memref<128xf32, #tpu.memory_space<vmem>>
    %dma_start3A_100 = arith.constant 0 : i32
    %dma_start3A_101 = tpu.memref_slice %arg12[%dma_start3A_95, %dma_start3A_100] : memref<50x128xi32, #tpu.memory_space<vmem>> -> memref<1x128xi32, #tpu.memory_space<vmem>>
    %dma_start3A_102 = tpu.memref_squeeze %dma_start3A_101 : memref<1x128xi32, #tpu.memory_space<vmem>> -> memref<128xi32, #tpu.memory_space<vmem>>
    %dma_start3A_103 = arith.constant 0 : i32
    %dma_start3A_104 = tpu.memref_slice %arg6[%dma_start3A_103] : memref<100000000xf32, #tpu.memory_space<hbm>> -> memref<100000000xf32, #tpu.memory_space<hbm>>
    tpu.enqueue_indirect_dma source(%dma_start3A_104 : memref<100000000xf32, #tpu.memory_space<hbm>>) target(%dma_start3A_99 : memref<128xf32, #tpu.memory_space<vmem>>) offsets(%dma_start3A_102 : memref<128xi32, #tpu.memory_space<vmem>>) semaphore(%arg17 : memref<!tpu.dma_semaphore, #tpu.memory_space<semaphore_mem>>)
    %dma_wait3A = arith.constant 0 : i32
    %dma_wait3A_105 = arith.constant 0 : i32
    %dma_wait3A_106 = arith.constant 0 : i32
    %dma_wait3A_107 = tpu.memref_slice %arg14[%dma_wait3A_105, %dma_wait3A_106] : memref<50x128xf32, #tpu.memory_space<vmem>> -> memref<1x128xf32, #tpu.memory_space<vmem>>
    %dma_wait3A_108 = tpu.memref_squeeze %dma_wait3A_107 : memref<1x128xf32, #tpu.memory_space<vmem>> -> memref<128xf32, #tpu.memory_space<vmem>>
    %dma_wait3A_109 = arith.constant 0 : i32
    %dma_wait3A_110 = tpu.memref_slice %arg12[%dma_wait3A, %dma_wait3A_109] : memref<50x128xi32, #tpu.memory_space<vmem>> -> memref<1x128xi32, #tpu.memory_space<vmem>>
    %dma_wait3A_111 = tpu.memref_squeeze %dma_wait3A_110 : memref<1x128xi32, #tpu.memory_space<vmem>> -> memref<128xi32, #tpu.memory_space<vmem>>
    %dma_wait3A_112 = arith.constant 0 : i32
    %dma_wait3A_113 = tpu.memref_slice %arg6[%dma_wait3A_112] : memref<100000000xf32, #tpu.memory_space<hbm>> -> memref<100000000xf32, #tpu.memory_space<hbm>>
    tpu.wait_indirect_dma semaphore(%arg17 : memref<!tpu.dma_semaphore, #tpu.memory_space<semaphore_mem>>) src(%dma_wait3A_113 : memref<100000000xf32, #tpu.memory_space<hbm>>) dst(%dma_wait3A_108 : memref<128xf32, #tpu.memory_space<vmem>>)
    %dma_wait3A_114 = arith.constant 1 : i32
    %dma_wait3A_115 = arith.constant 1 : i32
    %dma_wait3A_116 = arith.constant 0 : i32
    %dma_wait3A_117 = tpu.memref_slice %arg14[%dma_wait3A_115, %dma_wait3A_116] : memref<50x128xf32, #tpu.memory_space<vmem>> -> memref<1x128xf32, #tpu.memory_space<vmem>>
    %dma_wait3A_118 = tpu.memref_squeeze %dma_wait3A_117 : memref<1x128xf32, #tpu.memory_space<vmem>> -> memref<128xf32, #tpu.memory_space<vmem>>
    %dma_wait3A_119 = arith.constant 0 : i32
    %dma_wait3A_120 = tpu.memref_slice %arg12[%dma_wait3A_114, %dma_wait3A_119] : memref<50x128xi32, #tpu.memory_space<vmem>> -> memref<1x128xi32, #tpu.memory_space<vmem>>
    %dma_wait3A_121 = tpu.memref_squeeze %dma_wait3A_120 : memref<1x128xi32, #tpu.memory_space<vmem>> -> memref<128xi32, #tpu.memory_space<vmem>>
    %dma_wait3A_122 = arith.constant 0 : i32
    %dma_wait3A_123 = tpu.memref_slice %arg6[%dma_wait3A_122] : memref<100000000xf32, #tpu.memory_space<hbm>> -> memref<100000000xf32, #tpu.memory_space<hbm>>
    tpu.wait_indirect_dma semaphore(%arg17 : memref<!tpu.dma_semaphore, #tpu.memory_space<semaphore_mem>>) src(%dma_wait3A_123 : memref<100000000xf32, #tpu.memory_space<hbm>>) dst(%dma_wait3A_118 : memref<128xf32, #tpu.memory_space<vmem>>)
    %dma_wait3A_124 = arith.constant 2 : i32
    %dma_wait3A_125 = arith.constant 2 : i32
    %dma_wait3A_126 = arith.constant 0 : i32
    %dma_wait3A_127 = tpu.memref_slice %arg14[%dma_wait3A_125, %dma_wait3A_126] : memref<50x128xf32, #tpu.memory_space<vmem>> -> memref<1x128xf32, #tpu.memory_space<vmem>>
    %dma_wait3A_128 = tpu.memref_squeeze %dma_wait3A_127 : memref<1x128xf32, #tpu.memory_space<vmem>> -> memref<128xf32, #tpu.memory_space<vmem>>
    %dma_wait3A_129 = arith.constant 0 : i32
    %dma_wait3A_130 = tpu.memref_slice %arg12[%dma_wait3A_124, %dma_wait3A_129] : memref<50x128xi32, #tpu.memory_space<vmem>> -> memref<1x128xi32, #tpu.memory_space<vmem>>
    %dma_wait3A_131 = tpu.memref_squeeze %dma_wait3A_130 : memref<1x128xi32, #tpu.memory_space<vmem>> -> memref<128xi32, #tpu.memory_space<vmem>>
    %dma_wait3A_132 = arith.constant 0 : i32
    %dma_wait3A_133 = tpu.memref_slice %arg6[%dma_wait3A_132] : memref<100000000xf32, #tpu.memory_space<hbm>> -> memref<100000000xf32, #tpu.memory_space<hbm>>
    tpu.wait_indirect_dma semaphore(%arg17 : memref<!tpu.dma_semaphore, #tpu.memory_space<semaphore_mem>>) src(%dma_wait3A_133 : memref<100000000xf32, #tpu.memory_space<hbm>>) dst(%dma_wait3A_128 : memref<128xf32, #tpu.memory_space<vmem>>)
    %dma_wait3A_134 = arith.constant 3 : i32
    %dma_wait3A_135 = arith.constant 3 : i32
    %dma_wait3A_136 = arith.constant 0 : i32
    %dma_wait3A_137 = tpu.memref_slice %arg14[%dma_wait3A_135, %dma_wait3A_136] : memref<50x128xf32, #tpu.memory_space<vmem>> -> memref<1x128xf32, #tpu.memory_space<vmem>>
    %dma_wait3A_138 = tpu.memref_squeeze %dma_wait3A_137 : memref<1x128xf32, #tpu.memory_space<vmem>> -> memref<128xf32, #tpu.memory_space<vmem>>
    %dma_wait3A_139 = arith.constant 0 : i32
    %dma_wait3A_140 = tpu.memref_slice %arg12[%dma_wait3A_134, %dma_wait3A_139] : memref<50x128xi32, #tpu.memory_space<vmem>> -> memref<1x128xi32, #tpu.memory_space<vmem>>
    %dma_wait3A_141 = tpu.memref_squeeze %dma_wait3A_140 : memref<1x128xi32, #tpu.memory_space<vmem>> -> memref<128xi32, #tpu.memory_space<vmem>>
    %dma_wait3A_142 = arith.constant 0 : i32
    %dma_wait3A_143 = tpu.memref_slice %arg6[%dma_wait3A_142] : memref<100000000xf32, #tpu.memory_space<hbm>> -> memref<100000000xf32, #tpu.memory_space<hbm>>
    tpu.wait_indirect_dma semaphore(%arg17 : memref<!tpu.dma_semaphore, #tpu.memory_space<semaphore_mem>>) src(%dma_wait3A_143 : memref<100000000xf32, #tpu.memory_space<hbm>>) dst(%dma_wait3A_138 : memref<128xf32, #tpu.memory_space<vmem>>)
    %dma_wait3A_144 = arith.constant 4 : i32
    %dma_wait3A_145 = arith.constant 4 : i32
    %dma_wait3A_146 = arith.constant 0 : i32
    %dma_wait3A_147 = tpu.memref_slice %arg14[%dma_wait3A_145, %dma_wait3A_146] : memref<50x128xf32, #tpu.memory_space<vmem>> -> memref<1x128xf32, #tpu.memory_space<vmem>>
    %dma_wait3A_148 = tpu.memref_squeeze %dma_wait3A_147 : memref<1x128xf32, #tpu.memory_space<vmem>> -> memref<128xf32, #tpu.memory_space<vmem>>
    %dma_wait3A_149 = arith.constant 0 : i32
    %dma_wait3A_150 = tpu.memref_slice %arg12[%dma_wait3A_144, %dma_wait3A_149] : memref<50x128xi32, #tpu.memory_space<vmem>> -> memref<1x128xi32, #tpu.memory_space<vmem>>
    %dma_wait3A_151 = tpu.memref_squeeze %dma_wait3A_150 : memref<1x128xi32, #tpu.memory_space<vmem>> -> memref<128xi32, #tpu.memory_space<vmem>>
    %dma_wait3A_152 = arith.constant 0 : i32
    %dma_wait3A_153 = tpu.memref_slice %arg6[%dma_wait3A_152] : memref<100000000xf32, #tpu.memory_space<hbm>> -> memref<100000000xf32, #tpu.memory_space<hbm>>
    tpu.wait_indirect_dma semaphore(%arg17 : memref<!tpu.dma_semaphore, #tpu.memory_space<semaphore_mem>>) src(%dma_wait3A_153 : memref<100000000xf32, #tpu.memory_space<hbm>>) dst(%dma_wait3A_148 : memref<128xf32, #tpu.memory_space<vmem>>)
    %dma_wait3A_154 = arith.constant 5 : i32
    %dma_wait3A_155 = arith.constant 5 : i32
    %dma_wait3A_156 = arith.constant 0 : i32
    %dma_wait3A_157 = tpu.memref_slice %arg14[%dma_wait3A_155, %dma_wait3A_156] : memref<50x128xf32, #tpu.memory_space<vmem>> -> memref<1x128xf32, #tpu.memory_space<vmem>>
    %dma_wait3A_158 = tpu.memref_squeeze %dma_wait3A_157 : memref<1x128xf32, #tpu.memory_space<vmem>> -> memref<128xf32, #tpu.memory_space<vmem>>
    %dma_wait3A_159 = arith.constant 0 : i32
    %dma_wait3A_160 = tpu.memref_slice %arg12[%dma_wait3A_154, %dma_wait3A_159] : memref<50x128xi32, #tpu.memory_space<vmem>> -> memref<1x128xi32, #tpu.memory_space<vmem>>
    %dma_wait3A_161 = tpu.memref_squeeze %dma_wait3A_160 : memref<1x128xi32, #tpu.memory_space<vmem>> -> memref<128xi32, #tpu.memory_space<vmem>>
    %dma_wait3A_162 = arith.constant 0 : i32
    %dma_wait3A_163 = tpu.memref_slice %arg6[%dma_wait3A_162] : memref<100000000xf32, #tpu.memory_space<hbm>> -> memref<100000000xf32, #tpu.memory_space<hbm>>
    tpu.wait_indirect_dma semaphore(%arg17 : memref<!tpu.dma_semaphore, #tpu.memory_space<semaphore_mem>>) src(%dma_wait3A_163 : memref<100000000xf32, #tpu.memory_space<hbm>>) dst(%dma_wait3A_158 : memref<128xf32, #tpu.memory_space<vmem>>)
    %dma_wait3A_164 = arith.constant 6 : i32
    %dma_wait3A_165 = arith.constant 6 : i32
    %dma_wait3A_166 = arith.constant 0 : i32
    %dma_wait3A_167 = tpu.memref_slice %arg14[%dma_wait3A_165, %dma_wait3A_166] : memref<50x128xf32, #tpu.memory_space<vmem>> -> memref<1x128xf32, #tpu.memory_space<vmem>>
    %dma_wait3A_168 = tpu.memref_squeeze %dma_wait3A_167 : memref<1x128xf32, #tpu.memory_space<vmem>> -> memref<128xf32, #tpu.memory_space<vmem>>
    %dma_wait3A_169 = arith.constant 0 : i32
    %dma_wait3A_170 = tpu.memref_slice %arg12[%dma_wait3A_164, %dma_wait3A_169] : memref<50x128xi32, #tpu.memory_space<vmem>> -> memref<1x128xi32, #tpu.memory_space<vmem>>
    %dma_wait3A_171 = tpu.memref_squeeze %dma_wait3A_170 : memref<1x128xi32, #tpu.memory_space<vmem>> -> memref<128xi32, #tpu.memory_space<vmem>>
    %dma_wait3A_172 = arith.constant 0 : i32
    %dma_wait3A_173 = tpu.memref_slice %arg6[%dma_wait3A_172] : memref<100000000xf32, #tpu.memory_space<hbm>> -> memref<100000000xf32, #tpu.memory_space<hbm>>
    tpu.wait_indirect_dma semaphore(%arg17 : memref<!tpu.dma_semaphore, #tpu.memory_space<semaphore_mem>>) src(%dma_wait3A_173 : memref<100000000xf32, #tpu.memory_space<hbm>>) dst(%dma_wait3A_168 : memref<128xf32, #tpu.memory_space<vmem>>)
    %dma_wait3A_174 = arith.constant 7 : i32
    %dma_wait3A_175 = arith.constant 7 : i32
    %dma_wait3A_176 = arith.constant 0 : i32
    %dma_wait3A_177 = tpu.memref_slice %arg14[%dma_wait3A_175, %dma_wait3A_176] : memref<50x128xf32, #tpu.memory_space<vmem>> -> memref<1x128xf32, #tpu.memory_space<vmem>>
    %dma_wait3A_178 = tpu.memref_squeeze %dma_wait3A_177 : memref<1x128xf32, #tpu.memory_space<vmem>> -> memref<128xf32, #tpu.memory_space<vmem>>
    %dma_wait3A_179 = arith.constant 0 : i32
    %dma_wait3A_180 = tpu.memref_slice %arg12[%dma_wait3A_174, %dma_wait3A_179] : memref<50x128xi32, #tpu.memory_space<vmem>> -> memref<1x128xi32, #tpu.memory_space<vmem>>
    %dma_wait3A_181 = tpu.memref_squeeze %dma_wait3A_180 : memref<1x128xi32, #tpu.memory_space<vmem>> -> memref<128xi32, #tpu.memory_space<vmem>>
    %dma_wait3A_182 = arith.constant 0 : i32
    %dma_wait3A_183 = tpu.memref_slice %arg6[%dma_wait3A_182] : memref<100000000xf32, #tpu.memory_space<hbm>> -> memref<100000000xf32, #tpu.memory_space<hbm>>
    tpu.wait_indirect_dma semaphore(%arg17 : memref<!tpu.dma_semaphore, #tpu.memory_space<semaphore_mem>>) src(%dma_wait3A_183 : memref<100000000xf32, #tpu.memory_space<hbm>>) dst(%dma_wait3A_178 : memref<128xf32, #tpu.memory_space<vmem>>)
    %dma_wait3A_184 = arith.constant 8 : i32
    %dma_wait3A_185 = arith.constant 8 : i32
    %dma_wait3A_186 = arith.constant 0 : i32
    %dma_wait3A_187 = tpu.memref_slice %arg14[%dma_wait3A_185, %dma_wait3A_186] : memref<50x128xf32, #tpu.memory_space<vmem>> -> memref<1x128xf32, #tpu.memory_space<vmem>>
    %dma_wait3A_188 = tpu.memref_squeeze %dma_wait3A_187 : memref<1x128xf32, #tpu.memory_space<vmem>> -> memref<128xf32, #tpu.memory_space<vmem>>
    %dma_wait3A_189 = arith.constant 0 : i32
    %dma_wait3A_190 = tpu.memref_slice %arg12[%dma_wait3A_184, %dma_wait3A_189] : memref<50x128xi32, #tpu.memory_space<vmem>> -> memref<1x128xi32, #tpu.memory_space<vmem>>
    %dma_wait3A_191 = tpu.memref_squeeze %dma_wait3A_190 : memref<1x128xi32, #tpu.memory_space<vmem>> -> memref<128xi32, #tpu.memory_space<vmem>>
    %dma_wait3A_192 = arith.constant 0 : i32
    %dma_wait3A_193 = tpu.memref_slice %arg6[%dma_wait3A_192] : memref<100000000xf32, #tpu.memory_space<hbm>> -> memref<100000000xf32, #tpu.memory_space<hbm>>
    tpu.wait_indirect_dma semaphore(%arg17 : memref<!tpu.dma_semaphore, #tpu.memory_space<semaphore_mem>>) src(%dma_wait3A_193 : memref<100000000xf32, #tpu.memory_space<hbm>>) dst(%dma_wait3A_188 : memref<128xf32, #tpu.memory_space<vmem>>)
    %dma_wait3A_194 = arith.constant 9 : i32
    %dma_wait3A_195 = arith.constant 9 : i32
    %dma_wait3A_196 = arith.constant 0 : i32
    %dma_wait3A_197 = tpu.memref_slice %arg14[%dma_wait3A_195, %dma_wait3A_196] : memref<50x128xf32, #tpu.memory_space<vmem>> -> memref<1x128xf32, #tpu.memory_space<vmem>>
    %dma_wait3A_198 = tpu.memref_squeeze %dma_wait3A_197 : memref<1x128xf32, #tpu.memory_space<vmem>> -> memref<128xf32, #tpu.memory_space<vmem>>
    %dma_wait3A_199 = arith.constant 0 : i32
    %dma_wait3A_200 = tpu.memref_slice %arg12[%dma_wait3A_194, %dma_wait3A_199] : memref<50x128xi32, #tpu.memory_space<vmem>> -> memref<1x128xi32, #tpu.memory_space<vmem>>
    %dma_wait3A_201 = tpu.memref_squeeze %dma_wait3A_200 : memref<1x128xi32, #tpu.memory_space<vmem>> -> memref<128xi32, #tpu.memory_space<vmem>>
    %dma_wait3A_202 = arith.constant 0 : i32
    %dma_wait3A_203 = tpu.memref_slice %arg6[%dma_wait3A_202] : memref<100000000xf32, #tpu.memory_space<hbm>> -> memref<100000000xf32, #tpu.memory_space<hbm>>
    tpu.wait_indirect_dma semaphore(%arg17 : memref<!tpu.dma_semaphore, #tpu.memory_space<semaphore_mem>>) src(%dma_wait3A_203 : memref<100000000xf32, #tpu.memory_space<hbm>>) dst(%dma_wait3A_198 : memref<128xf32, #tpu.memory_space<vmem>>)
    %dma_start3A_204 = arith.constant 10 : i32
    %dma_start3A_205 = arith.constant 10 : i32
    %dma_start3A_206 = arith.constant 0 : i32
    %dma_start3A_207 = tpu.memref_slice %arg14[%dma_start3A_205, %dma_start3A_206] : memref<50x128xf32, #tpu.memory_space<vmem>> -> memref<1x128xf32, #tpu.memory_space<vmem>>
    %dma_start3A_208 = tpu.memref_squeeze %dma_start3A_207 : memref<1x128xf32, #tpu.memory_space<vmem>> -> memref<128xf32, #tpu.memory_space<vmem>>
    %dma_start3A_209 = arith.constant 0 : i32
    %dma_start3A_210 = tpu.memref_slice %arg12[%dma_start3A_204, %dma_start3A_209] : memref<50x128xi32, #tpu.memory_space<vmem>> -> memref<1x128xi32, #tpu.memory_space<vmem>>
    %dma_start3A_211 = tpu.memref_squeeze %dma_start3A_210 : memref<1x128xi32, #tpu.memory_space<vmem>> -> memref<128xi32, #tpu.memory_space<vmem>>
    %dma_start3A_212 = arith.constant 0 : i32
    %dma_start3A_213 = tpu.memref_slice %arg6[%dma_start3A_212] : memref<100000000xf32, #tpu.memory_space<hbm>> -> memref<100000000xf32, #tpu.memory_space<hbm>>
    tpu.enqueue_indirect_dma source(%dma_start3A_213 : memref<100000000xf32, #tpu.memory_space<hbm>>) target(%dma_start3A_208 : memref<128xf32, #tpu.memory_space<vmem>>) offsets(%dma_start3A_211 : memref<128xi32, #tpu.memory_space<vmem>>) semaphore(%arg17 : memref<!tpu.dma_semaphore, #tpu.memory_space<semaphore_mem>>)
    %dma_start3A_214 = arith.constant 11 : i32
    %dma_start3A_215 = arith.constant 11 : i32
    %dma_start3A_216 = arith.constant 0 : i32
    %dma_start3A_217 = tpu.memref_slice %arg14[%dma_start3A_215, %dma_start3A_216] : memref<50x128xf32, #tpu.memory_space<vmem>> -> memref<1x128xf32, #tpu.memory_space<vmem>>
    %dma_start3A_218 = tpu.memref_squeeze %dma_start3A_217 : memref<1x128xf32, #tpu.memory_space<vmem>> -> memref<128xf32, #tpu.memory_space<vmem>>
    %dma_start3A_219 = arith.constant 0 : i32
    %dma_start3A_220 = tpu.memref_slice %arg12[%dma_start3A_214, %dma_start3A_219] : memref<50x128xi32, #tpu.memory_space<vmem>> -> memref<1x128xi32, #tpu.memory_space<vmem>>
    %dma_start3A_221 = tpu.memref_squeeze %dma_start3A_220 : memref<1x128xi32, #tpu.memory_space<vmem>> -> memref<128xi32, #tpu.memory_space<vmem>>
    %dma_start3A_222 = arith.constant 0 : i32
    %dma_start3A_223 = tpu.memref_slice %arg6[%dma_start3A_222] : memref<100000000xf32, #tpu.memory_space<hbm>> -> memref<100000000xf32, #tpu.memory_space<hbm>>
    tpu.enqueue_indirect_dma source(%dma_start3A_223 : memref<100000000xf32, #tpu.memory_space<hbm>>) target(%dma_start3A_218 : memref<128xf32, #tpu.memory_space<vmem>>) offsets(%dma_start3A_221 : memref<128xi32, #tpu.memory_space<vmem>>) semaphore(%arg17 : memref<!tpu.dma_semaphore, #tpu.memory_space<semaphore_mem>>)
    %dma_start3A_224 = arith.constant 12 : i32
    %dma_start3A_225 = arith.constant 12 : i32
    %dma_start3A_226 = arith.constant 0 : i32
    %dma_start3A_227 = tpu.memref_slice %arg14[%dma_start3A_225, %dma_start3A_226] : memref<50x128xf32, #tpu.memory_space<vmem>> -> memref<1x128xf32, #tpu.memory_space<vmem>>
    %dma_start3A_228 = tpu.memref_squeeze %dma_start3A_227 : memref<1x128xf32, #tpu.memory_space<vmem>> -> memref<128xf32, #tpu.memory_space<vmem>>
    %dma_start3A_229 = arith.constant 0 : i32
    %dma_start3A_230 = tpu.memref_slice %arg12[%dma_start3A_224, %dma_start3A_229] : memref<50x128xi32, #tpu.memory_space<vmem>> -> memref<1x128xi32, #tpu.memory_space<vmem>>
    %dma_start3A_231 = tpu.memref_squeeze %dma_start3A_230 : memref<1x128xi32, #tpu.memory_space<vmem>> -> memref<128xi32, #tpu.memory_space<vmem>>
    %dma_start3A_232 = arith.constant 0 : i32
    %dma_start3A_233 = tpu.memref_slice %arg6[%dma_start3A_232] : memref<100000000xf32, #tpu.memory_space<hbm>> -> memref<100000000xf32, #tpu.memory_space<hbm>>
    tpu.enqueue_indirect_dma source(%dma_start3A_233 : memref<100000000xf32, #tpu.memory_space<hbm>>) target(%dma_start3A_228 : memref<128xf32, #tpu.memory_space<vmem>>) offsets(%dma_start3A_231 : memref<128xi32, #tpu.memory_space<vmem>>) semaphore(%arg17 : memref<!tpu.dma_semaphore, #tpu.memory_space<semaphore_mem>>)
    %dma_start3A_234 = arith.constant 13 : i32
    %dma_start3A_235 = arith.constant 13 : i32
    %dma_start3A_236 = arith.constant 0 : i32
    %dma_start3A_237 = tpu.memref_slice %arg14[%dma_start3A_235, %dma_start3A_236] : memref<50x128xf32, #tpu.memory_space<vmem>> -> memref<1x128xf32, #tpu.memory_space<vmem>>
    %dma_start3A_238 = tpu.memref_squeeze %dma_start3A_237 : memref<1x128xf32, #tpu.memory_space<vmem>> -> memref<128xf32, #tpu.memory_space<vmem>>
    %dma_start3A_239 = arith.constant 0 : i32
    %dma_start3A_240 = tpu.memref_slice %arg12[%dma_start3A_234, %dma_start3A_239] : memref<50x128xi32, #tpu.memory_space<vmem>> -> memref<1x128xi32, #tpu.memory_space<vmem>>
    %dma_start3A_241 = tpu.memref_squeeze %dma_start3A_240 : memref<1x128xi32, #tpu.memory_space<vmem>> -> memref<128xi32, #tpu.memory_space<vmem>>
    %dma_start3A_242 = arith.constant 0 : i32
    %dma_start3A_243 = tpu.memref_slice %arg6[%dma_start3A_242] : memref<100000000xf32, #tpu.memory_space<hbm>> -> memref<100000000xf32, #tpu.memory_space<hbm>>
    tpu.enqueue_indirect_dma source(%dma_start3A_243 : memref<100000000xf32, #tpu.memory_space<hbm>>) target(%dma_start3A_238 : memref<128xf32, #tpu.memory_space<vmem>>) offsets(%dma_start3A_241 : memref<128xi32, #tpu.memory_space<vmem>>) semaphore(%arg17 : memref<!tpu.dma_semaphore, #tpu.memory_space<semaphore_mem>>)
    %dma_start3A_244 = arith.constant 14 : i32
    %dma_start3A_245 = arith.constant 14 : i32
    %dma_start3A_246 = arith.constant 0 : i32
    %dma_start3A_247 = tpu.memref_slice %arg14[%dma_start3A_245, %dma_start3A_246] : memref<50x128xf32, #tpu.memory_space<vmem>> -> memref<1x128xf32, #tpu.memory_space<vmem>>
    %dma_start3A_248 = tpu.memref_squeeze %dma_start3A_247 : memref<1x128xf32, #tpu.memory_space<vmem>> -> memref<128xf32, #tpu.memory_space<vmem>>
    %dma_start3A_249 = arith.constant 0 : i32
    %dma_start3A_250 = tpu.memref_slice %arg12[%dma_start3A_244, %dma_start3A_249] : memref<50x128xi32, #tpu.memory_space<vmem>> -> memref<1x128xi32, #tpu.memory_space<vmem>>
    %dma_start3A_251 = tpu.memref_squeeze %dma_start3A_250 : memref<1x128xi32, #tpu.memory_space<vmem>> -> memref<128xi32, #tpu.memory_space<vmem>>
    %dma_start3A_252 = arith.constant 0 : i32
    %dma_start3A_253 = tpu.memref_slice %arg6[%dma_start3A_252] : memref<100000000xf32, #tpu.memory_space<hbm>> -> memref<100000000xf32, #tpu.memory_space<hbm>>
    tpu.enqueue_indirect_dma source(%dma_start3A_253 : memref<100000000xf32, #tpu.memory_space<hbm>>) target(%dma_start3A_248 : memref<128xf32, #tpu.memory_space<vmem>>) offsets(%dma_start3A_251 : memref<128xi32, #tpu.memory_space<vmem>>) semaphore(%arg17 : memref<!tpu.dma_semaphore, #tpu.memory_space<semaphore_mem>>)
    %dma_start3A_254 = arith.constant 15 : i32
    %dma_start3A_255 = arith.constant 15 : i32
    %dma_start3A_256 = arith.constant 0 : i32
    %dma_start3A_257 = tpu.memref_slice %arg14[%dma_start3A_255, %dma_start3A_256] : memref<50x128xf32, #tpu.memory_space<vmem>> -> memref<1x128xf32, #tpu.memory_space<vmem>>
    %dma_start3A_258 = tpu.memref_squeeze %dma_start3A_257 : memref<1x128xf32, #tpu.memory_space<vmem>> -> memref<128xf32, #tpu.memory_space<vmem>>
    %dma_start3A_259 = arith.constant 0 : i32
    %dma_start3A_260 = tpu.memref_slice %arg12[%dma_start3A_254, %dma_start3A_259] : memref<50x128xi32, #tpu.memory_space<vmem>> -> memref<1x128xi32, #tpu.memory_space<vmem>>
    %dma_start3A_261 = tpu.memref_squeeze %dma_start3A_260 : memref<1x128xi32, #tpu.memory_space<vmem>> -> memref<128xi32, #tpu.memory_space<vmem>>
    %dma_start3A_262 = arith.constant 0 : i32
    %dma_start3A_263 = tpu.memref_slice %arg6[%dma_start3A_262] : memref<100000000xf32, #tpu.memory_space<hbm>> -> memref<100000000xf32, #tpu.memory_space<hbm>>
    tpu.enqueue_indirect_dma source(%dma_start3A_263 : memref<100000000xf32, #tpu.memory_space<hbm>>) target(%dma_start3A_258 : memref<128xf32, #tpu.memory_space<vmem>>) offsets(%dma_start3A_261 : memref<128xi32, #tpu.memory_space<vmem>>) semaphore(%arg17 : memref<!tpu.dma_semaphore, #tpu.memory_space<semaphore_mem>>)
    %dma_start3A_264 = arith.constant 16 : i32
    %dma_start3A_265 = arith.constant 16 : i32
    %dma_start3A_266 = arith.constant 0 : i32
    %dma_start3A_267 = tpu.memref_slice %arg14[%dma_start3A_265, %dma_start3A_266] : memref<50x128xf32, #tpu.memory_space<vmem>> -> memref<1x128xf32, #tpu.memory_space<vmem>>
    %dma_start3A_268 = tpu.memref_squeeze %dma_start3A_267 : memref<1x128xf32, #tpu.memory_space<vmem>> -> memref<128xf32, #tpu.memory_space<vmem>>
    %dma_start3A_269 = arith.constant 0 : i32
    %dma_start3A_270 = tpu.memref_slice %arg12[%dma_start3A_264, %dma_start3A_269] : memref<50x128xi32, #tpu.memory_space<vmem>> -> memref<1x128xi32, #tpu.memory_space<vmem>>
    %dma_start3A_271 = tpu.memref_squeeze %dma_start3A_270 : memref<1x128xi32, #tpu.memory_space<vmem>> -> memref<128xi32, #tpu.memory_space<vmem>>
    %dma_start3A_272 = arith.constant 0 : i32
    %dma_start3A_273 = tpu.memref_slice %arg6[%dma_start3A_272] : memref<100000000xf32, #tpu.memory_space<hbm>> -> memref<100000000xf32, #tpu.memory_space<hbm>>
    tpu.enqueue_indirect_dma source(%dma_start3A_273 : memref<100000000xf32, #tpu.memory_space<hbm>>) target(%dma_start3A_268 : memref<128xf32, #tpu.memory_space<vmem>>) offsets(%dma_start3A_271 : memref<128xi32, #tpu.memory_space<vmem>>) semaphore(%arg17 : memref<!tpu.dma_semaphore, #tpu.memory_space<semaphore_mem>>)
    %dma_start3A_274 = arith.constant 17 : i32
    %dma_start3A_275 = arith.constant 17 : i32
    %dma_start3A_276 = arith.constant 0 : i32
    %dma_start3A_277 = tpu.memref_slice %arg14[%dma_start3A_275, %dma_start3A_276] : memref<50x128xf32, #tpu.memory_space<vmem>> -> memref<1x128xf32, #tpu.memory_space<vmem>>
    %dma_start3A_278 = tpu.memref_squeeze %dma_start3A_277 : memref<1x128xf32, #tpu.memory_space<vmem>> -> memref<128xf32, #tpu.memory_space<vmem>>
    %dma_start3A_279 = arith.constant 0 : i32
    %dma_start3A_280 = tpu.memref_slice %arg12[%dma_start3A_274, %dma_start3A_279] : memref<50x128xi32, #tpu.memory_space<vmem>> -> memref<1x128xi32, #tpu.memory_space<vmem>>
    %dma_start3A_281 = tpu.memref_squeeze %dma_start3A_280 : memref<1x128xi32, #tpu.memory_space<vmem>> -> memref<128xi32, #tpu.memory_space<vmem>>
    %dma_start3A_282 = arith.constant 0 : i32
    %dma_start3A_283 = tpu.memref_slice %arg6[%dma_start3A_282] : memref<100000000xf32, #tpu.memory_space<hbm>> -> memref<100000000xf32, #tpu.memory_space<hbm>>
    tpu.enqueue_indirect_dma source(%dma_start3A_283 : memref<100000000xf32, #tpu.memory_space<hbm>>) target(%dma_start3A_278 : memref<128xf32, #tpu.memory_space<vmem>>) offsets(%dma_start3A_281 : memref<128xi32, #tpu.memory_space<vmem>>) semaphore(%arg17 : memref<!tpu.dma_semaphore, #tpu.memory_space<semaphore_mem>>)
    %dma_start3A_284 = arith.constant 18 : i32
    %dma_start3A_285 = arith.constant 18 : i32
    %dma_start3A_286 = arith.constant 0 : i32
    %dma_start3A_287 = tpu.memref_slice %arg14[%dma_start3A_285, %dma_start3A_286] : memref<50x128xf32, #tpu.memory_space<vmem>> -> memref<1x128xf32, #tpu.memory_space<vmem>>
    %dma_start3A_288 = tpu.memref_squeeze %dma_start3A_287 : memref<1x128xf32, #tpu.memory_space<vmem>> -> memref<128xf32, #tpu.memory_space<vmem>>
    %dma_start3A_289 = arith.constant 0 : i32
    %dma_start3A_290 = tpu.memref_slice %arg12[%dma_start3A_284, %dma_start3A_289] : memref<50x128xi32, #tpu.memory_space<vmem>> -> memref<1x128xi32, #tpu.memory_space<vmem>>
    %dma_start3A_291 = tpu.memref_squeeze %dma_start3A_290 : memref<1x128xi32, #tpu.memory_space<vmem>> -> memref<128xi32, #tpu.memory_space<vmem>>
    %dma_start3A_292 = arith.constant 0 : i32
    %dma_start3A_293 = tpu.memref_slice %arg6[%dma_start3A_292] : memref<100000000xf32, #tpu.memory_space<hbm>> -> memref<100000000xf32, #tpu.memory_space<hbm>>
    tpu.enqueue_indirect_dma source(%dma_start3A_293 : memref<100000000xf32, #tpu.memory_space<hbm>>) target(%dma_start3A_288 : memref<128xf32, #tpu.memory_space<vmem>>) offsets(%dma_start3A_291 : memref<128xi32, #tpu.memory_space<vmem>>) semaphore(%arg17 : memref<!tpu.dma_semaphore, #tpu.memory_space<semaphore_mem>>)
    %dma_start3A_294 = arith.constant 19 : i32
    %dma_start3A_295 = arith.constant 19 : i32
    %dma_start3A_296 = arith.constant 0 : i32
    %dma_start3A_297 = tpu.memref_slice %arg14[%dma_start3A_295, %dma_start3A_296] : memref<50x128xf32, #tpu.memory_space<vmem>> -> memref<1x128xf32, #tpu.memory_space<vmem>>
    %dma_start3A_298 = tpu.memref_squeeze %dma_start3A_297 : memref<1x128xf32, #tpu.memory_space<vmem>> -> memref<128xf32, #tpu.memory_space<vmem>>
    %dma_start3A_299 = arith.constant 0 : i32
    %dma_start3A_300 = tpu.memref_slice %arg12[%dma_start3A_294, %dma_start3A_299] : memref<50x128xi32, #tpu.memory_space<vmem>> -> memref<1x128xi32, #tpu.memory_space<vmem>>
    %dma_start3A_301 = tpu.memref_squeeze %dma_start3A_300 : memref<1x128xi32, #tpu.memory_space<vmem>> -> memref<128xi32, #tpu.memory_space<vmem>>
    %dma_start3A_302 = arith.constant 0 : i32
    %dma_start3A_303 = tpu.memref_slice %arg6[%dma_start3A_302] : memref<100000000xf32, #tpu.memory_space<hbm>> -> memref<100000000xf32, #tpu.memory_space<hbm>>
    tpu.enqueue_indirect_dma source(%dma_start3A_303 : memref<100000000xf32, #tpu.memory_space<hbm>>) target(%dma_start3A_298 : memref<128xf32, #tpu.memory_space<vmem>>) offsets(%dma_start3A_301 : memref<128xi32, #tpu.memory_space<vmem>>) semaphore(%arg17 : memref<!tpu.dma_semaphore, #tpu.memory_space<semaphore_mem>>)
    %dma_wait3A_304 = arith.constant 10 : i32
    %dma_wait3A_305 = arith.constant 10 : i32
    %dma_wait3A_306 = arith.constant 0 : i32
    %dma_wait3A_307 = tpu.memref_slice %arg14[%dma_wait3A_305, %dma_wait3A_306] : memref<50x128xf32, #tpu.memory_space<vmem>> -> memref<1x128xf32, #tpu.memory_space<vmem>>
    %dma_wait3A_308 = tpu.memref_squeeze %dma_wait3A_307 : memref<1x128xf32, #tpu.memory_space<vmem>> -> memref<128xf32, #tpu.memory_space<vmem>>
    %dma_wait3A_309 = arith.constant 0 : i32
    %dma_wait3A_310 = tpu.memref_slice %arg12[%dma_wait3A_304, %dma_wait3A_309] : memref<50x128xi32, #tpu.memory_space<vmem>> -> memref<1x128xi32, #tpu.memory_space<vmem>>
    %dma_wait3A_311 = tpu.memref_squeeze %dma_wait3A_310 : memref<1x128xi32, #tpu.memory_space<vmem>> -> memref<128xi32, #tpu.memory_space<vmem>>
    %dma_wait3A_312 = arith.constant 0 : i32
    %dma_wait3A_313 = tpu.memref_slice %arg6[%dma_wait3A_312] : memref<100000000xf32, #tpu.memory_space<hbm>> -> memref<100000000xf32, #tpu.memory_space<hbm>>
    tpu.wait_indirect_dma semaphore(%arg17 : memref<!tpu.dma_semaphore, #tpu.memory_space<semaphore_mem>>) src(%dma_wait3A_313 : memref<100000000xf32, #tpu.memory_space<hbm>>) dst(%dma_wait3A_308 : memref<128xf32, #tpu.memory_space<vmem>>)
    %dma_wait3A_314 = arith.constant 11 : i32
    %dma_wait3A_315 = arith.constant 11 : i32
    %dma_wait3A_316 = arith.constant 0 : i32
    %dma_wait3A_317 = tpu.memref_slice %arg14[%dma_wait3A_315, %dma_wait3A_316] : memref<50x128xf32, #tpu.memory_space<vmem>> -> memref<1x128xf32, #tpu.memory_space<vmem>>
    %dma_wait3A_318 = tpu.memref_squeeze %dma_wait3A_317 : memref<1x128xf32, #tpu.memory_space<vmem>> -> memref<128xf32, #tpu.memory_space<vmem>>
    %dma_wait3A_319 = arith.constant 0 : i32
    %dma_wait3A_320 = tpu.memref_slice %arg12[%dma_wait3A_314, %dma_wait3A_319] : memref<50x128xi32, #tpu.memory_space<vmem>> -> memref<1x128xi32, #tpu.memory_space<vmem>>
    %dma_wait3A_321 = tpu.memref_squeeze %dma_wait3A_320 : memref<1x128xi32, #tpu.memory_space<vmem>> -> memref<128xi32, #tpu.memory_space<vmem>>
    %dma_wait3A_322 = arith.constant 0 : i32
    %dma_wait3A_323 = tpu.memref_slice %arg6[%dma_wait3A_322] : memref<100000000xf32, #tpu.memory_space<hbm>> -> memref<100000000xf32, #tpu.memory_space<hbm>>
    tpu.wait_indirect_dma semaphore(%arg17 : memref<!tpu.dma_semaphore, #tpu.memory_space<semaphore_mem>>) src(%dma_wait3A_323 : memref<100000000xf32, #tpu.memory_space<hbm>>) dst(%dma_wait3A_318 : memref<128xf32, #tpu.memory_space<vmem>>)
    %dma_wait3A_324 = arith.constant 12 : i32
    %dma_wait3A_325 = arith.constant 12 : i32
    %dma_wait3A_326 = arith.constant 0 : i32
    %dma_wait3A_327 = tpu.memref_slice %arg14[%dma_wait3A_325, %dma_wait3A_326] : memref<50x128xf32, #tpu.memory_space<vmem>> -> memref<1x128xf32, #tpu.memory_space<vmem>>
    %dma_wait3A_328 = tpu.memref_squeeze %dma_wait3A_327 : memref<1x128xf32, #tpu.memory_space<vmem>> -> memref<128xf32, #tpu.memory_space<vmem>>
    %dma_wait3A_329 = arith.constant 0 : i32
    %dma_wait3A_330 = tpu.memref_slice %arg12[%dma_wait3A_324, %dma_wait3A_329] : memref<50x128xi32, #tpu.memory_space<vmem>> -> memref<1x128xi32, #tpu.memory_space<vmem>>
    %dma_wait3A_331 = tpu.memref_squeeze %dma_wait3A_330 : memref<1x128xi32, #tpu.memory_space<vmem>> -> memref<128xi32, #tpu.memory_space<vmem>>
    %dma_wait3A_332 = arith.constant 0 : i32
    %dma_wait3A_333 = tpu.memref_slice %arg6[%dma_wait3A_332] : memref<100000000xf32, #tpu.memory_space<hbm>> -> memref<100000000xf32, #tpu.memory_space<hbm>>
    tpu.wait_indirect_dma semaphore(%arg17 : memref<!tpu.dma_semaphore, #tpu.memory_space<semaphore_mem>>) src(%dma_wait3A_333 : memref<100000000xf32, #tpu.memory_space<hbm>>) dst(%dma_wait3A_328 : memref<128xf32, #tpu.memory_space<vmem>>)
    %dma_wait3A_334 = arith.constant 13 : i32
    %dma_wait3A_335 = arith.constant 13 : i32
    %dma_wait3A_336 = arith.constant 0 : i32
    %dma_wait3A_337 = tpu.memref_slice %arg14[%dma_wait3A_335, %dma_wait3A_336] : memref<50x128xf32, #tpu.memory_space<vmem>> -> memref<1x128xf32, #tpu.memory_space<vmem>>
    %dma_wait3A_338 = tpu.memref_squeeze %dma_wait3A_337 : memref<1x128xf32, #tpu.memory_space<vmem>> -> memref<128xf32, #tpu.memory_space<vmem>>
    %dma_wait3A_339 = arith.constant 0 : i32
    %dma_wait3A_340 = tpu.memref_slice %arg12[%dma_wait3A_334, %dma_wait3A_339] : memref<50x128xi32, #tpu.memory_space<vmem>> -> memref<1x128xi32, #tpu.memory_space<vmem>>
    %dma_wait3A_341 = tpu.memref_squeeze %dma_wait3A_340 : memref<1x128xi32, #tpu.memory_space<vmem>> -> memref<128xi32, #tpu.memory_space<vmem>>
    %dma_wait3A_342 = arith.constant 0 : i32
    %dma_wait3A_343 = tpu.memref_slice %arg6[%dma_wait3A_342] : memref<100000000xf32, #tpu.memory_space<hbm>> -> memref<100000000xf32, #tpu.memory_space<hbm>>
    tpu.wait_indirect_dma semaphore(%arg17 : memref<!tpu.dma_semaphore, #tpu.memory_space<semaphore_mem>>) src(%dma_wait3A_343 : memref<100000000xf32, #tpu.memory_space<hbm>>) dst(%dma_wait3A_338 : memref<128xf32, #tpu.memory_space<vmem>>)
    %dma_wait3A_344 = arith.constant 14 : i32
    %dma_wait3A_345 = arith.constant 14 : i32
    %dma_wait3A_346 = arith.constant 0 : i32
    %dma_wait3A_347 = tpu.memref_slice %arg14[%dma_wait3A_345, %dma_wait3A_346] : memref<50x128xf32, #tpu.memory_space<vmem>> -> memref<1x128xf32, #tpu.memory_space<vmem>>
    %dma_wait3A_348 = tpu.memref_squeeze %dma_wait3A_347 : memref<1x128xf32, #tpu.memory_space<vmem>> -> memref<128xf32, #tpu.memory_space<vmem>>
    %dma_wait3A_349 = arith.constant 0 : i32
    %dma_wait3A_350 = tpu.memref_slice %arg12[%dma_wait3A_344, %dma_wait3A_349] : memref<50x128xi32, #tpu.memory_space<vmem>> -> memref<1x128xi32, #tpu.memory_space<vmem>>
    %dma_wait3A_351 = tpu.memref_squeeze %dma_wait3A_350 : memref<1x128xi32, #tpu.memory_space<vmem>> -> memref<128xi32, #tpu.memory_space<vmem>>
    %dma_wait3A_352 = arith.constant 0 : i32
    %dma_wait3A_353 = tpu.memref_slice %arg6[%dma_wait3A_352] : memref<100000000xf32, #tpu.memory_space<hbm>> -> memref<100000000xf32, #tpu.memory_space<hbm>>
    tpu.wait_indirect_dma semaphore(%arg17 : memref<!tpu.dma_semaphore, #tpu.memory_space<semaphore_mem>>) src(%dma_wait3A_353 : memref<100000000xf32, #tpu.memory_space<hbm>>) dst(%dma_wait3A_348 : memref<128xf32, #tpu.memory_space<vmem>>)
    %dma_wait3A_354 = arith.constant 15 : i32
    %dma_wait3A_355 = arith.constant 15 : i32
    %dma_wait3A_356 = arith.constant 0 : i32
    %dma_wait3A_357 = tpu.memref_slice %arg14[%dma_wait3A_355, %dma_wait3A_356] : memref<50x128xf32, #tpu.memory_space<vmem>> -> memref<1x128xf32, #tpu.memory_space<vmem>>
    %dma_wait3A_358 = tpu.memref_squeeze %dma_wait3A_357 : memref<1x128xf32, #tpu.memory_space<vmem>> -> memref<128xf32, #tpu.memory_space<vmem>>
    %dma_wait3A_359 = arith.constant 0 : i32
    %dma_wait3A_360 = tpu.memref_slice %arg12[%dma_wait3A_354, %dma_wait3A_359] : memref<50x128xi32, #tpu.memory_space<vmem>> -> memref<1x128xi32, #tpu.memory_space<vmem>>
    %dma_wait3A_361 = tpu.memref_squeeze %dma_wait3A_360 : memref<1x128xi32, #tpu.memory_space<vmem>> -> memref<128xi32, #tpu.memory_space<vmem>>
    %dma_wait3A_362 = arith.constant 0 : i32
    %dma_wait3A_363 = tpu.memref_slice %arg6[%dma_wait3A_362] : memref<100000000xf32, #tpu.memory_space<hbm>> -> memref<100000000xf32, #tpu.memory_space<hbm>>
    tpu.wait_indirect_dma semaphore(%arg17 : memref<!tpu.dma_semaphore, #tpu.memory_space<semaphore_mem>>) src(%dma_wait3A_363 : memref<100000000xf32, #tpu.memory_space<hbm>>) dst(%dma_wait3A_358 : memref<128xf32, #tpu.memory_space<vmem>>)
    %dma_wait3A_364 = arith.constant 16 : i32
    %dma_wait3A_365 = arith.constant 16 : i32
    %dma_wait3A_366 = arith.constant 0 : i32
    %dma_wait3A_367 = tpu.memref_slice %arg14[%dma_wait3A_365, %dma_wait3A_366] : memref<50x128xf32, #tpu.memory_space<vmem>> -> memref<1x128xf32, #tpu.memory_space<vmem>>
    %dma_wait3A_368 = tpu.memref_squeeze %dma_wait3A_367 : memref<1x128xf32, #tpu.memory_space<vmem>> -> memref<128xf32, #tpu.memory_space<vmem>>
    %dma_wait3A_369 = arith.constant 0 : i32
    %dma_wait3A_370 = tpu.memref_slice %arg12[%dma_wait3A_364, %dma_wait3A_369] : memref<50x128xi32, #tpu.memory_space<vmem>> -> memref<1x128xi32, #tpu.memory_space<vmem>>
    %dma_wait3A_371 = tpu.memref_squeeze %dma_wait3A_370 : memref<1x128xi32, #tpu.memory_space<vmem>> -> memref<128xi32, #tpu.memory_space<vmem>>
    %dma_wait3A_372 = arith.constant 0 : i32
    %dma_wait3A_373 = tpu.memref_slice %arg6[%dma_wait3A_372] : memref<100000000xf32, #tpu.memory_space<hbm>> -> memref<100000000xf32, #tpu.memory_space<hbm>>
    tpu.wait_indirect_dma semaphore(%arg17 : memref<!tpu.dma_semaphore, #tpu.memory_space<semaphore_mem>>) src(%dma_wait3A_373 : memref<100000000xf32, #tpu.memory_space<hbm>>) dst(%dma_wait3A_368 : memref<128xf32, #tpu.memory_space<vmem>>)
    %dma_wait3A_374 = arith.constant 17 : i32
    %dma_wait3A_375 = arith.constant 17 : i32
    %dma_wait3A_376 = arith.constant 0 : i32
    %dma_wait3A_377 = tpu.memref_slice %arg14[%dma_wait3A_375, %dma_wait3A_376] : memref<50x128xf32, #tpu.memory_space<vmem>> -> memref<1x128xf32, #tpu.memory_space<vmem>>
    %dma_wait3A_378 = tpu.memref_squeeze %dma_wait3A_377 : memref<1x128xf32, #tpu.memory_space<vmem>> -> memref<128xf32, #tpu.memory_space<vmem>>
    %dma_wait3A_379 = arith.constant 0 : i32
    %dma_wait3A_380 = tpu.memref_slice %arg12[%dma_wait3A_374, %dma_wait3A_379] : memref<50x128xi32, #tpu.memory_space<vmem>> -> memref<1x128xi32, #tpu.memory_space<vmem>>
    %dma_wait3A_381 = tpu.memref_squeeze %dma_wait3A_380 : memref<1x128xi32, #tpu.memory_space<vmem>> -> memref<128xi32, #tpu.memory_space<vmem>>
    %dma_wait3A_382 = arith.constant 0 : i32
    %dma_wait3A_383 = tpu.memref_slice %arg6[%dma_wait3A_382] : memref<100000000xf32, #tpu.memory_space<hbm>> -> memref<100000000xf32, #tpu.memory_space<hbm>>
    tpu.wait_indirect_dma semaphore(%arg17 : memref<!tpu.dma_semaphore, #tpu.memory_space<semaphore_mem>>) src(%dma_wait3A_383 : memref<100000000xf32, #tpu.memory_space<hbm>>) dst(%dma_wait3A_378 : memref<128xf32, #tpu.memory_space<vmem>>)
    %dma_wait3A_384 = arith.constant 18 : i32
    %dma_wait3A_385 = arith.constant 18 : i32
    %dma_wait3A_386 = arith.constant 0 : i32
    %dma_wait3A_387 = tpu.memref_slice %arg14[%dma_wait3A_385, %dma_wait3A_386] : memref<50x128xf32, #tpu.memory_space<vmem>> -> memref<1x128xf32, #tpu.memory_space<vmem>>
    %dma_wait3A_388 = tpu.memref_squeeze %dma_wait3A_387 : memref<1x128xf32, #tpu.memory_space<vmem>> -> memref<128xf32, #tpu.memory_space<vmem>>
    %dma_wait3A_389 = arith.constant 0 : i32
    %dma_wait3A_390 = tpu.memref_slice %arg12[%dma_wait3A_384, %dma_wait3A_389] : memref<50x128xi32, #tpu.memory_space<vmem>> -> memref<1x128xi32, #tpu.memory_space<vmem>>
    %dma_wait3A_391 = tpu.memref_squeeze %dma_wait3A_390 : memref<1x128xi32, #tpu.memory_space<vmem>> -> memref<128xi32, #tpu.memory_space<vmem>>
    %dma_wait3A_392 = arith.constant 0 : i32
    %dma_wait3A_393 = tpu.memref_slice %arg6[%dma_wait3A_392] : memref<100000000xf32, #tpu.memory_space<hbm>> -> memref<100000000xf32, #tpu.memory_space<hbm>>
    tpu.wait_indirect_dma semaphore(%arg17 : memref<!tpu.dma_semaphore, #tpu.memory_space<semaphore_mem>>) src(%dma_wait3A_393 : memref<100000000xf32, #tpu.memory_space<hbm>>) dst(%dma_wait3A_388 : memref<128xf32, #tpu.memory_space<vmem>>)
    %dma_wait3A_394 = arith.constant 19 : i32
    %dma_wait3A_395 = arith.constant 19 : i32
    %dma_wait3A_396 = arith.constant 0 : i32
    %dma_wait3A_397 = tpu.memref_slice %arg14[%dma_wait3A_395, %dma_wait3A_396] : memref<50x128xf32, #tpu.memory_space<vmem>> -> memref<1x128xf32, #tpu.memory_space<vmem>>
    %dma_wait3A_398 = tpu.memref_squeeze %dma_wait3A_397 : memref<1x128xf32, #tpu.memory_space<vmem>> -> memref<128xf32, #tpu.memory_space<vmem>>
    %dma_wait3A_399 = arith.constant 0 : i32
    %dma_wait3A_400 = tpu.memref_slice %arg12[%dma_wait3A_394, %dma_wait3A_399] : memref<50x128xi32, #tpu.memory_space<vmem>> -> memref<1x128xi32, #tpu.memory_space<vmem>>
    %dma_wait3A_401 = tpu.memref_squeeze %dma_wait3A_400 : memref<1x128xi32, #tpu.memory_space<vmem>> -> memref<128xi32, #tpu.memory_space<vmem>>
    %dma_wait3A_402 = arith.constant 0 : i32
    %dma_wait3A_403 = tpu.memref_slice %arg6[%dma_wait3A_402] : memref<100000000xf32, #tpu.memory_space<hbm>> -> memref<100000000xf32, #tpu.memory_space<hbm>>
    tpu.wait_indirect_dma semaphore(%arg17 : memref<!tpu.dma_semaphore, #tpu.memory_space<semaphore_mem>>) src(%dma_wait3A_403 : memref<100000000xf32, #tpu.memory_space<hbm>>) dst(%dma_wait3A_398 : memref<128xf32, #tpu.memory_space<vmem>>)
    %dma_start3A_404 = arith.constant 20 : i32
    %dma_start3A_405 = arith.constant 20 : i32
    %dma_start3A_406 = arith.constant 0 : i32
    %dma_start3A_407 = tpu.memref_slice %arg14[%dma_start3A_405, %dma_start3A_406] : memref<50x128xf32, #tpu.memory_space<vmem>> -> memref<1x128xf32, #tpu.memory_space<vmem>>
    %dma_start3A_408 = tpu.memref_squeeze %dma_start3A_407 : memref<1x128xf32, #tpu.memory_space<vmem>> -> memref<128xf32, #tpu.memory_space<vmem>>
    %dma_start3A_409 = arith.constant 0 : i32
    %dma_start3A_410 = tpu.memref_slice %arg12[%dma_start3A_404, %dma_start3A_409] : memref<50x128xi32, #tpu.memory_space<vmem>> -> memref<1x128xi32, #tpu.memory_space<vmem>>
    %dma_start3A_411 = tpu.memref_squeeze %dma_start3A_410 : memref<1x128xi32, #tpu.memory_space<vmem>> -> memref<128xi32, #tpu.memory_space<vmem>>
    %dma_start3A_412 = arith.constant 0 : i32
    %dma_start3A_413 = tpu.memref_slice %arg6[%dma_start3A_412] : memref<100000000xf32, #tpu.memory_space<hbm>> -> memref<100000000xf32, #tpu.memory_space<hbm>>
    tpu.enqueue_indirect_dma source(%dma_start3A_413 : memref<100000000xf32, #tpu.memory_space<hbm>>) target(%dma_start3A_408 : memref<128xf32, #tpu.memory_space<vmem>>) offsets(%dma_start3A_411 : memref<128xi32, #tpu.memory_space<vmem>>) semaphore(%arg17 : memref<!tpu.dma_semaphore, #tpu.memory_space<semaphore_mem>>)
    %dma_start3A_414 = arith.constant 21 : i32
    %dma_start3A_415 = arith.constant 21 : i32
    %dma_start3A_416 = arith.constant 0 : i32
    %dma_start3A_417 = tpu.memref_slice %arg14[%dma_start3A_415, %dma_start3A_416] : memref<50x128xf32, #tpu.memory_space<vmem>> -> memref<1x128xf32, #tpu.memory_space<vmem>>
    %dma_start3A_418 = tpu.memref_squeeze %dma_start3A_417 : memref<1x128xf32, #tpu.memory_space<vmem>> -> memref<128xf32, #tpu.memory_space<vmem>>
    %dma_start3A_419 = arith.constant 0 : i32
    %dma_start3A_420 = tpu.memref_slice %arg12[%dma_start3A_414, %dma_start3A_419] : memref<50x128xi32, #tpu.memory_space<vmem>> -> memref<1x128xi32, #tpu.memory_space<vmem>>
    %dma_start3A_421 = tpu.memref_squeeze %dma_start3A_420 : memref<1x128xi32, #tpu.memory_space<vmem>> -> memref<128xi32, #tpu.memory_space<vmem>>
    %dma_start3A_422 = arith.constant 0 : i32
    %dma_start3A_423 = tpu.memref_slice %arg6[%dma_start3A_422] : memref<100000000xf32, #tpu.memory_space<hbm>> -> memref<100000000xf32, #tpu.memory_space<hbm>>
    tpu.enqueue_indirect_dma source(%dma_start3A_423 : memref<100000000xf32, #tpu.memory_space<hbm>>) target(%dma_start3A_418 : memref<128xf32, #tpu.memory_space<vmem>>) offsets(%dma_start3A_421 : memref<128xi32, #tpu.memory_space<vmem>>) semaphore(%arg17 : memref<!tpu.dma_semaphore, #tpu.memory_space<semaphore_mem>>)
    %dma_start3A_424 = arith.constant 22 : i32
    %dma_start3A_425 = arith.constant 22 : i32
    %dma_start3A_426 = arith.constant 0 : i32
    %dma_start3A_427 = tpu.memref_slice %arg14[%dma_start3A_425, %dma_start3A_426] : memref<50x128xf32, #tpu.memory_space<vmem>> -> memref<1x128xf32, #tpu.memory_space<vmem>>
    %dma_start3A_428 = tpu.memref_squeeze %dma_start3A_427 : memref<1x128xf32, #tpu.memory_space<vmem>> -> memref<128xf32, #tpu.memory_space<vmem>>
    %dma_start3A_429 = arith.constant 0 : i32
    %dma_start3A_430 = tpu.memref_slice %arg12[%dma_start3A_424, %dma_start3A_429] : memref<50x128xi32, #tpu.memory_space<vmem>> -> memref<1x128xi32, #tpu.memory_space<vmem>>
    %dma_start3A_431 = tpu.memref_squeeze %dma_start3A_430 : memref<1x128xi32, #tpu.memory_space<vmem>> -> memref<128xi32, #tpu.memory_space<vmem>>
    %dma_start3A_432 = arith.constant 0 : i32
    %dma_start3A_433 = tpu.memref_slice %arg6[%dma_start3A_432] : memref<100000000xf32, #tpu.memory_space<hbm>> -> memref<100000000xf32, #tpu.memory_space<hbm>>
    tpu.enqueue_indirect_dma source(%dma_start3A_433 : memref<100000000xf32, #tpu.memory_space<hbm>>) target(%dma_start3A_428 : memref<128xf32, #tpu.memory_space<vmem>>) offsets(%dma_start3A_431 : memref<128xi32, #tpu.memory_space<vmem>>) semaphore(%arg17 : memref<!tpu.dma_semaphore, #tpu.memory_space<semaphore_mem>>)
    %dma_start3A_434 = arith.constant 23 : i32
    %dma_start3A_435 = arith.constant 23 : i32
    %dma_start3A_436 = arith.constant 0 : i32
    %dma_start3A_437 = tpu.memref_slice %arg14[%dma_start3A_435, %dma_start3A_436] : memref<50x128xf32, #tpu.memory_space<vmem>> -> memref<1x128xf32, #tpu.memory_space<vmem>>
    %dma_start3A_438 = tpu.memref_squeeze %dma_start3A_437 : memref<1x128xf32, #tpu.memory_space<vmem>> -> memref<128xf32, #tpu.memory_space<vmem>>
    %dma_start3A_439 = arith.constant 0 : i32
    %dma_start3A_440 = tpu.memref_slice %arg12[%dma_start3A_434, %dma_start3A_439] : memref<50x128xi32, #tpu.memory_space<vmem>> -> memref<1x128xi32, #tpu.memory_space<vmem>>
    %dma_start3A_441 = tpu.memref_squeeze %dma_start3A_440 : memref<1x128xi32, #tpu.memory_space<vmem>> -> memref<128xi32, #tpu.memory_space<vmem>>
    %dma_start3A_442 = arith.constant 0 : i32
    %dma_start3A_443 = tpu.memref_slice %arg6[%dma_start3A_442] : memref<100000000xf32, #tpu.memory_space<hbm>> -> memref<100000000xf32, #tpu.memory_space<hbm>>
    tpu.enqueue_indirect_dma source(%dma_start3A_443 : memref<100000000xf32, #tpu.memory_space<hbm>>) target(%dma_start3A_438 : memref<128xf32, #tpu.memory_space<vmem>>) offsets(%dma_start3A_441 : memref<128xi32, #tpu.memory_space<vmem>>) semaphore(%arg17 : memref<!tpu.dma_semaphore, #tpu.memory_space<semaphore_mem>>)
    %dma_start3A_444 = arith.constant 24 : i32
    %dma_start3A_445 = arith.constant 24 : i32
    %dma_start3A_446 = arith.constant 0 : i32
    %dma_start3A_447 = tpu.memref_slice %arg14[%dma_start3A_445, %dma_start3A_446] : memref<50x128xf32, #tpu.memory_space<vmem>> -> memref<1x128xf32, #tpu.memory_space<vmem>>
    %dma_start3A_448 = tpu.memref_squeeze %dma_start3A_447 : memref<1x128xf32, #tpu.memory_space<vmem>> -> memref<128xf32, #tpu.memory_space<vmem>>
    %dma_start3A_449 = arith.constant 0 : i32
    %dma_start3A_450 = tpu.memref_slice %arg12[%dma_start3A_444, %dma_start3A_449] : memref<50x128xi32, #tpu.memory_space<vmem>> -> memref<1x128xi32, #tpu.memory_space<vmem>>
    %dma_start3A_451 = tpu.memref_squeeze %dma_start3A_450 : memref<1x128xi32, #tpu.memory_space<vmem>> -> memref<128xi32, #tpu.memory_space<vmem>>
    %dma_start3A_452 = arith.constant 0 : i32
    %dma_start3A_453 = tpu.memref_slice %arg6[%dma_start3A_452] : memref<100000000xf32, #tpu.memory_space<hbm>> -> memref<100000000xf32, #tpu.memory_space<hbm>>
    tpu.enqueue_indirect_dma source(%dma_start3A_453 : memref<100000000xf32, #tpu.memory_space<hbm>>) target(%dma_start3A_448 : memref<128xf32, #tpu.memory_space<vmem>>) offsets(%dma_start3A_451 : memref<128xi32, #tpu.memory_space<vmem>>) semaphore(%arg17 : memref<!tpu.dma_semaphore, #tpu.memory_space<semaphore_mem>>)
    %dma_start3A_454 = arith.constant 25 : i32
    %dma_start3A_455 = arith.constant 25 : i32
    %dma_start3A_456 = arith.constant 0 : i32
    %dma_start3A_457 = tpu.memref_slice %arg14[%dma_start3A_455, %dma_start3A_456] : memref<50x128xf32, #tpu.memory_space<vmem>> -> memref<1x128xf32, #tpu.memory_space<vmem>>
    %dma_start3A_458 = tpu.memref_squeeze %dma_start3A_457 : memref<1x128xf32, #tpu.memory_space<vmem>> -> memref<128xf32, #tpu.memory_space<vmem>>
    %dma_start3A_459 = arith.constant 0 : i32
    %dma_start3A_460 = tpu.memref_slice %arg12[%dma_start3A_454, %dma_start3A_459] : memref<50x128xi32, #tpu.memory_space<vmem>> -> memref<1x128xi32, #tpu.memory_space<vmem>>
    %dma_start3A_461 = tpu.memref_squeeze %dma_start3A_460 : memref<1x128xi32, #tpu.memory_space<vmem>> -> memref<128xi32, #tpu.memory_space<vmem>>
    %dma_start3A_462 = arith.constant 0 : i32
    %dma_start3A_463 = tpu.memref_slice %arg6[%dma_start3A_462] : memref<100000000xf32, #tpu.memory_space<hbm>> -> memref<100000000xf32, #tpu.memory_space<hbm>>
    tpu.enqueue_indirect_dma source(%dma_start3A_463 : memref<100000000xf32, #tpu.memory_space<hbm>>) target(%dma_start3A_458 : memref<128xf32, #tpu.memory_space<vmem>>) offsets(%dma_start3A_461 : memref<128xi32, #tpu.memory_space<vmem>>) semaphore(%arg17 : memref<!tpu.dma_semaphore, #tpu.memory_space<semaphore_mem>>)
    %dma_start3A_464 = arith.constant 26 : i32
    %dma_start3A_465 = arith.constant 26 : i32
    %dma_start3A_466 = arith.constant 0 : i32
    %dma_start3A_467 = tpu.memref_slice %arg14[%dma_start3A_465, %dma_start3A_466] : memref<50x128xf32, #tpu.memory_space<vmem>> -> memref<1x128xf32, #tpu.memory_space<vmem>>
    %dma_start3A_468 = tpu.memref_squeeze %dma_start3A_467 : memref<1x128xf32, #tpu.memory_space<vmem>> -> memref<128xf32, #tpu.memory_space<vmem>>
    %dma_start3A_469 = arith.constant 0 : i32
    %dma_start3A_470 = tpu.memref_slice %arg12[%dma_start3A_464, %dma_start3A_469] : memref<50x128xi32, #tpu.memory_space<vmem>> -> memref<1x128xi32, #tpu.memory_space<vmem>>
    %dma_start3A_471 = tpu.memref_squeeze %dma_start3A_470 : memref<1x128xi32, #tpu.memory_space<vmem>> -> memref<128xi32, #tpu.memory_space<vmem>>
    %dma_start3A_472 = arith.constant 0 : i32
    %dma_start3A_473 = tpu.memref_slice %arg6[%dma_start3A_472] : memref<100000000xf32, #tpu.memory_space<hbm>> -> memref<100000000xf32, #tpu.memory_space<hbm>>
    tpu.enqueue_indirect_dma source(%dma_start3A_473 : memref<100000000xf32, #tpu.memory_space<hbm>>) target(%dma_start3A_468 : memref<128xf32, #tpu.memory_space<vmem>>) offsets(%dma_start3A_471 : memref<128xi32, #tpu.memory_space<vmem>>) semaphore(%arg17 : memref<!tpu.dma_semaphore, #tpu.memory_space<semaphore_mem>>)
    %dma_start3A_474 = arith.constant 27 : i32
    %dma_start3A_475 = arith.constant 27 : i32
    %dma_start3A_476 = arith.constant 0 : i32
    %dma_start3A_477 = tpu.memref_slice %arg14[%dma_start3A_475, %dma_start3A_476] : memref<50x128xf32, #tpu.memory_space<vmem>> -> memref<1x128xf32, #tpu.memory_space<vmem>>
    %dma_start3A_478 = tpu.memref_squeeze %dma_start3A_477 : memref<1x128xf32, #tpu.memory_space<vmem>> -> memref<128xf32, #tpu.memory_space<vmem>>
    %dma_start3A_479 = arith.constant 0 : i32
    %dma_start3A_480 = tpu.memref_slice %arg12[%dma_start3A_474, %dma_start3A_479] : memref<50x128xi32, #tpu.memory_space<vmem>> -> memref<1x128xi32, #tpu.memory_space<vmem>>
    %dma_start3A_481 = tpu.memref_squeeze %dma_start3A_480 : memref<1x128xi32, #tpu.memory_space<vmem>> -> memref<128xi32, #tpu.memory_space<vmem>>
    %dma_start3A_482 = arith.constant 0 : i32
    %dma_start3A_483 = tpu.memref_slice %arg6[%dma_start3A_482] : memref<100000000xf32, #tpu.memory_space<hbm>> -> memref<100000000xf32, #tpu.memory_space<hbm>>
    tpu.enqueue_indirect_dma source(%dma_start3A_483 : memref<100000000xf32, #tpu.memory_space<hbm>>) target(%dma_start3A_478 : memref<128xf32, #tpu.memory_space<vmem>>) offsets(%dma_start3A_481 : memref<128xi32, #tpu.memory_space<vmem>>) semaphore(%arg17 : memref<!tpu.dma_semaphore, #tpu.memory_space<semaphore_mem>>)
    %dma_start3A_484 = arith.constant 28 : i32
    %dma_start3A_485 = arith.constant 28 : i32
    %dma_start3A_486 = arith.constant 0 : i32
    %dma_start3A_487 = tpu.memref_slice %arg14[%dma_start3A_485, %dma_start3A_486] : memref<50x128xf32, #tpu.memory_space<vmem>> -> memref<1x128xf32, #tpu.memory_space<vmem>>
    %dma_start3A_488 = tpu.memref_squeeze %dma_start3A_487 : memref<1x128xf32, #tpu.memory_space<vmem>> -> memref<128xf32, #tpu.memory_space<vmem>>
    %dma_start3A_489 = arith.constant 0 : i32
    %dma_start3A_490 = tpu.memref_slice %arg12[%dma_start3A_484, %dma_start3A_489] : memref<50x128xi32, #tpu.memory_space<vmem>> -> memref<1x128xi32, #tpu.memory_space<vmem>>
    %dma_start3A_491 = tpu.memref_squeeze %dma_start3A_490 : memref<1x128xi32, #tpu.memory_space<vmem>> -> memref<128xi32, #tpu.memory_space<vmem>>
    %dma_start3A_492 = arith.constant 0 : i32
    %dma_start3A_493 = tpu.memref_slice %arg6[%dma_start3A_492] : memref<100000000xf32, #tpu.memory_space<hbm>> -> memref<100000000xf32, #tpu.memory_space<hbm>>
    tpu.enqueue_indirect_dma source(%dma_start3A_493 : memref<100000000xf32, #tpu.memory_space<hbm>>) target(%dma_start3A_488 : memref<128xf32, #tpu.memory_space<vmem>>) offsets(%dma_start3A_491 : memref<128xi32, #tpu.memory_space<vmem>>) semaphore(%arg17 : memref<!tpu.dma_semaphore, #tpu.memory_space<semaphore_mem>>)
    %dma_start3A_494 = arith.constant 29 : i32
    %dma_start3A_495 = arith.constant 29 : i32
    %dma_start3A_496 = arith.constant 0 : i32
    %dma_start3A_497 = tpu.memref_slice %arg14[%dma_start3A_495, %dma_start3A_496] : memref<50x128xf32, #tpu.memory_space<vmem>> -> memref<1x128xf32, #tpu.memory_space<vmem>>
    %dma_start3A_498 = tpu.memref_squeeze %dma_start3A_497 : memref<1x128xf32, #tpu.memory_space<vmem>> -> memref<128xf32, #tpu.memory_space<vmem>>
    %dma_start3A_499 = arith.constant 0 : i32
    %dma_start3A_500 = tpu.memref_slice %arg12[%dma_start3A_494, %dma_start3A_499] : memref<50x128xi32, #tpu.memory_space<vmem>> -> memref<1x128xi32, #tpu.memory_space<vmem>>
    %dma_start3A_501 = tpu.memref_squeeze %dma_start3A_500 : memref<1x128xi32, #tpu.memory_space<vmem>> -> memref<128xi32, #tpu.memory_space<vmem>>
    %dma_start3A_502 = arith.constant 0 : i32
    %dma_start3A_503 = tpu.memref_slice %arg6[%dma_start3A_502] : memref<100000000xf32, #tpu.memory_space<hbm>> -> memref<100000000xf32, #tpu.memory_space<hbm>>
    tpu.enqueue_indirect_dma source(%dma_start3A_503 : memref<100000000xf32, #tpu.memory_space<hbm>>) target(%dma_start3A_498 : memref<128xf32, #tpu.memory_space<vmem>>) offsets(%dma_start3A_501 : memref<128xi32, #tpu.memory_space<vmem>>) semaphore(%arg17 : memref<!tpu.dma_semaphore, #tpu.memory_space<semaphore_mem>>)
    %dma_wait3A_504 = arith.constant 20 : i32
    %dma_wait3A_505 = arith.constant 20 : i32
    %dma_wait3A_506 = arith.constant 0 : i32
    %dma_wait3A_507 = tpu.memref_slice %arg14[%dma_wait3A_505, %dma_wait3A_506] : memref<50x128xf32, #tpu.memory_space<vmem>> -> memref<1x128xf32, #tpu.memory_space<vmem>>
    %dma_wait3A_508 = tpu.memref_squeeze %dma_wait3A_507 : memref<1x128xf32, #tpu.memory_space<vmem>> -> memref<128xf32, #tpu.memory_space<vmem>>
    %dma_wait3A_509 = arith.constant 0 : i32
    %dma_wait3A_510 = tpu.memref_slice %arg12[%dma_wait3A_504, %dma_wait3A_509] : memref<50x128xi32, #tpu.memory_space<vmem>> -> memref<1x128xi32, #tpu.memory_space<vmem>>
    %dma_wait3A_511 = tpu.memref_squeeze %dma_wait3A_510 : memref<1x128xi32, #tpu.memory_space<vmem>> -> memref<128xi32, #tpu.memory_space<vmem>>
    %dma_wait3A_512 = arith.constant 0 : i32
    %dma_wait3A_513 = tpu.memref_slice %arg6[%dma_wait3A_512] : memref<100000000xf32, #tpu.memory_space<hbm>> -> memref<100000000xf32, #tpu.memory_space<hbm>>
    tpu.wait_indirect_dma semaphore(%arg17 : memref<!tpu.dma_semaphore, #tpu.memory_space<semaphore_mem>>) src(%dma_wait3A_513 : memref<100000000xf32, #tpu.memory_space<hbm>>) dst(%dma_wait3A_508 : memref<128xf32, #tpu.memory_space<vmem>>)
    %dma_wait3A_514 = arith.constant 21 : i32
    %dma_wait3A_515 = arith.constant 21 : i32
    %dma_wait3A_516 = arith.constant 0 : i32
    %dma_wait3A_517 = tpu.memref_slice %arg14[%dma_wait3A_515, %dma_wait3A_516] : memref<50x128xf32, #tpu.memory_space<vmem>> -> memref<1x128xf32, #tpu.memory_space<vmem>>
    %dma_wait3A_518 = tpu.memref_squeeze %dma_wait3A_517 : memref<1x128xf32, #tpu.memory_space<vmem>> -> memref<128xf32, #tpu.memory_space<vmem>>
    %dma_wait3A_519 = arith.constant 0 : i32
    %dma_wait3A_520 = tpu.memref_slice %arg12[%dma_wait3A_514, %dma_wait3A_519] : memref<50x128xi32, #tpu.memory_space<vmem>> -> memref<1x128xi32, #tpu.memory_space<vmem>>
    %dma_wait3A_521 = tpu.memref_squeeze %dma_wait3A_520 : memref<1x128xi32, #tpu.memory_space<vmem>> -> memref<128xi32, #tpu.memory_space<vmem>>
    %dma_wait3A_522 = arith.constant 0 : i32
    %dma_wait3A_523 = tpu.memref_slice %arg6[%dma_wait3A_522] : memref<100000000xf32, #tpu.memory_space<hbm>> -> memref<100000000xf32, #tpu.memory_space<hbm>>
    tpu.wait_indirect_dma semaphore(%arg17 : memref<!tpu.dma_semaphore, #tpu.memory_space<semaphore_mem>>) src(%dma_wait3A_523 : memref<100000000xf32, #tpu.memory_space<hbm>>) dst(%dma_wait3A_518 : memref<128xf32, #tpu.memory_space<vmem>>)
    %dma_wait3A_524 = arith.constant 22 : i32
    %dma_wait3A_525 = arith.constant 22 : i32
    %dma_wait3A_526 = arith.constant 0 : i32
    %dma_wait3A_527 = tpu.memref_slice %arg14[%dma_wait3A_525, %dma_wait3A_526] : memref<50x128xf32, #tpu.memory_space<vmem>> -> memref<1x128xf32, #tpu.memory_space<vmem>>
    %dma_wait3A_528 = tpu.memref_squeeze %dma_wait3A_527 : memref<1x128xf32, #tpu.memory_space<vmem>> -> memref<128xf32, #tpu.memory_space<vmem>>
    %dma_wait3A_529 = arith.constant 0 : i32
    %dma_wait3A_530 = tpu.memref_slice %arg12[%dma_wait3A_524, %dma_wait3A_529] : memref<50x128xi32, #tpu.memory_space<vmem>> -> memref<1x128xi32, #tpu.memory_space<vmem>>
    %dma_wait3A_531 = tpu.memref_squeeze %dma_wait3A_530 : memref<1x128xi32, #tpu.memory_space<vmem>> -> memref<128xi32, #tpu.memory_space<vmem>>
    %dma_wait3A_532 = arith.constant 0 : i32
    %dma_wait3A_533 = tpu.memref_slice %arg6[%dma_wait3A_532] : memref<100000000xf32, #tpu.memory_space<hbm>> -> memref<100000000xf32, #tpu.memory_space<hbm>>
    tpu.wait_indirect_dma semaphore(%arg17 : memref<!tpu.dma_semaphore, #tpu.memory_space<semaphore_mem>>) src(%dma_wait3A_533 : memref<100000000xf32, #tpu.memory_space<hbm>>) dst(%dma_wait3A_528 : memref<128xf32, #tpu.memory_space<vmem>>)
    %dma_wait3A_534 = arith.constant 23 : i32
    %dma_wait3A_535 = arith.constant 23 : i32
    %dma_wait3A_536 = arith.constant 0 : i32
    %dma_wait3A_537 = tpu.memref_slice %arg14[%dma_wait3A_535, %dma_wait3A_536] : memref<50x128xf32, #tpu.memory_space<vmem>> -> memref<1x128xf32, #tpu.memory_space<vmem>>
    %dma_wait3A_538 = tpu.memref_squeeze %dma_wait3A_537 : memref<1x128xf32, #tpu.memory_space<vmem>> -> memref<128xf32, #tpu.memory_space<vmem>>
    %dma_wait3A_539 = arith.constant 0 : i32
    %dma_wait3A_540 = tpu.memref_slice %arg12[%dma_wait3A_534, %dma_wait3A_539] : memref<50x128xi32, #tpu.memory_space<vmem>> -> memref<1x128xi32, #tpu.memory_space<vmem>>
    %dma_wait3A_541 = tpu.memref_squeeze %dma_wait3A_540 : memref<1x128xi32, #tpu.memory_space<vmem>> -> memref<128xi32, #tpu.memory_space<vmem>>
    %dma_wait3A_542 = arith.constant 0 : i32
    %dma_wait3A_543 = tpu.memref_slice %arg6[%dma_wait3A_542] : memref<100000000xf32, #tpu.memory_space<hbm>> -> memref<100000000xf32, #tpu.memory_space<hbm>>
    tpu.wait_indirect_dma semaphore(%arg17 : memref<!tpu.dma_semaphore, #tpu.memory_space<semaphore_mem>>) src(%dma_wait3A_543 : memref<100000000xf32, #tpu.memory_space<hbm>>) dst(%dma_wait3A_538 : memref<128xf32, #tpu.memory_space<vmem>>)
    %dma_wait3A_544 = arith.constant 24 : i32
    %dma_wait3A_545 = arith.constant 24 : i32
    %dma_wait3A_546 = arith.constant 0 : i32
    %dma_wait3A_547 = tpu.memref_slice %arg14[%dma_wait3A_545, %dma_wait3A_546] : memref<50x128xf32, #tpu.memory_space<vmem>> -> memref<1x128xf32, #tpu.memory_space<vmem>>
    %dma_wait3A_548 = tpu.memref_squeeze %dma_wait3A_547 : memref<1x128xf32, #tpu.memory_space<vmem>> -> memref<128xf32, #tpu.memory_space<vmem>>
    %dma_wait3A_549 = arith.constant 0 : i32
    %dma_wait3A_550 = tpu.memref_slice %arg12[%dma_wait3A_544, %dma_wait3A_549] : memref<50x128xi32, #tpu.memory_space<vmem>> -> memref<1x128xi32, #tpu.memory_space<vmem>>
    %dma_wait3A_551 = tpu.memref_squeeze %dma_wait3A_550 : memref<1x128xi32, #tpu.memory_space<vmem>> -> memref<128xi32, #tpu.memory_space<vmem>>
    %dma_wait3A_552 = arith.constant 0 : i32
    %dma_wait3A_553 = tpu.memref_slice %arg6[%dma_wait3A_552] : memref<100000000xf32, #tpu.memory_space<hbm>> -> memref<100000000xf32, #tpu.memory_space<hbm>>
    tpu.wait_indirect_dma semaphore(%arg17 : memref<!tpu.dma_semaphore, #tpu.memory_space<semaphore_mem>>) src(%dma_wait3A_553 : memref<100000000xf32, #tpu.memory_space<hbm>>) dst(%dma_wait3A_548 : memref<128xf32, #tpu.memory_space<vmem>>)
    %dma_wait3A_554 = arith.constant 25 : i32
    %dma_wait3A_555 = arith.constant 25 : i32
    %dma_wait3A_556 = arith.constant 0 : i32
    %dma_wait3A_557 = tpu.memref_slice %arg14[%dma_wait3A_555, %dma_wait3A_556] : memref<50x128xf32, #tpu.memory_space<vmem>> -> memref<1x128xf32, #tpu.memory_space<vmem>>
    %dma_wait3A_558 = tpu.memref_squeeze %dma_wait3A_557 : memref<1x128xf32, #tpu.memory_space<vmem>> -> memref<128xf32, #tpu.memory_space<vmem>>
    %dma_wait3A_559 = arith.constant 0 : i32
    %dma_wait3A_560 = tpu.memref_slice %arg12[%dma_wait3A_554, %dma_wait3A_559] : memref<50x128xi32, #tpu.memory_space<vmem>> -> memref<1x128xi32, #tpu.memory_space<vmem>>
    %dma_wait3A_561 = tpu.memref_squeeze %dma_wait3A_560 : memref<1x128xi32, #tpu.memory_space<vmem>> -> memref<128xi32, #tpu.memory_space<vmem>>
    %dma_wait3A_562 = arith.constant 0 : i32
    %dma_wait3A_563 = tpu.memref_slice %arg6[%dma_wait3A_562] : memref<100000000xf32, #tpu.memory_space<hbm>> -> memref<100000000xf32, #tpu.memory_space<hbm>>
    tpu.wait_indirect_dma semaphore(%arg17 : memref<!tpu.dma_semaphore, #tpu.memory_space<semaphore_mem>>) src(%dma_wait3A_563 : memref<100000000xf32, #tpu.memory_space<hbm>>) dst(%dma_wait3A_558 : memref<128xf32, #tpu.memory_space<vmem>>)
    %dma_wait3A_564 = arith.constant 26 : i32
    %dma_wait3A_565 = arith.constant 26 : i32
    %dma_wait3A_566 = arith.constant 0 : i32
    %dma_wait3A_567 = tpu.memref_slice %arg14[%dma_wait3A_565, %dma_wait3A_566] : memref<50x128xf32, #tpu.memory_space<vmem>> -> memref<1x128xf32, #tpu.memory_space<vmem>>
    %dma_wait3A_568 = tpu.memref_squeeze %dma_wait3A_567 : memref<1x128xf32, #tpu.memory_space<vmem>> -> memref<128xf32, #tpu.memory_space<vmem>>
    %dma_wait3A_569 = arith.constant 0 : i32
    %dma_wait3A_570 = tpu.memref_slice %arg12[%dma_wait3A_564, %dma_wait3A_569] : memref<50x128xi32, #tpu.memory_space<vmem>> -> memref<1x128xi32, #tpu.memory_space<vmem>>
    %dma_wait3A_571 = tpu.memref_squeeze %dma_wait3A_570 : memref<1x128xi32, #tpu.memory_space<vmem>> -> memref<128xi32, #tpu.memory_space<vmem>>
    %dma_wait3A_572 = arith.constant 0 : i32
    %dma_wait3A_573 = tpu.memref_slice %arg6[%dma_wait3A_572] : memref<100000000xf32, #tpu.memory_space<hbm>> -> memref<100000000xf32, #tpu.memory_space<hbm>>
    tpu.wait_indirect_dma semaphore(%arg17 : memref<!tpu.dma_semaphore, #tpu.memory_space<semaphore_mem>>) src(%dma_wait3A_573 : memref<100000000xf32, #tpu.memory_space<hbm>>) dst(%dma_wait3A_568 : memref<128xf32, #tpu.memory_space<vmem>>)
    %dma_wait3A_574 = arith.constant 27 : i32
    %dma_wait3A_575 = arith.constant 27 : i32
    %dma_wait3A_576 = arith.constant 0 : i32
    %dma_wait3A_577 = tpu.memref_slice %arg14[%dma_wait3A_575, %dma_wait3A_576] : memref<50x128xf32, #tpu.memory_space<vmem>> -> memref<1x128xf32, #tpu.memory_space<vmem>>
    %dma_wait3A_578 = tpu.memref_squeeze %dma_wait3A_577 : memref<1x128xf32, #tpu.memory_space<vmem>> -> memref<128xf32, #tpu.memory_space<vmem>>
    %dma_wait3A_579 = arith.constant 0 : i32
    %dma_wait3A_580 = tpu.memref_slice %arg12[%dma_wait3A_574, %dma_wait3A_579] : memref<50x128xi32, #tpu.memory_space<vmem>> -> memref<1x128xi32, #tpu.memory_space<vmem>>
    %dma_wait3A_581 = tpu.memref_squeeze %dma_wait3A_580 : memref<1x128xi32, #tpu.memory_space<vmem>> -> memref<128xi32, #tpu.memory_space<vmem>>
    %dma_wait3A_582 = arith.constant 0 : i32
    %dma_wait3A_583 = tpu.memref_slice %arg6[%dma_wait3A_582] : memref<100000000xf32, #tpu.memory_space<hbm>> -> memref<100000000xf32, #tpu.memory_space<hbm>>
    tpu.wait_indirect_dma semaphore(%arg17 : memref<!tpu.dma_semaphore, #tpu.memory_space<semaphore_mem>>) src(%dma_wait3A_583 : memref<100000000xf32, #tpu.memory_space<hbm>>) dst(%dma_wait3A_578 : memref<128xf32, #tpu.memory_space<vmem>>)
    %dma_wait3A_584 = arith.constant 28 : i32
    %dma_wait3A_585 = arith.constant 28 : i32
    %dma_wait3A_586 = arith.constant 0 : i32
    %dma_wait3A_587 = tpu.memref_slice %arg14[%dma_wait3A_585, %dma_wait3A_586] : memref<50x128xf32, #tpu.memory_space<vmem>> -> memref<1x128xf32, #tpu.memory_space<vmem>>
    %dma_wait3A_588 = tpu.memref_squeeze %dma_wait3A_587 : memref<1x128xf32, #tpu.memory_space<vmem>> -> memref<128xf32, #tpu.memory_space<vmem>>
    %dma_wait3A_589 = arith.constant 0 : i32
    %dma_wait3A_590 = tpu.memref_slice %arg12[%dma_wait3A_584, %dma_wait3A_589] : memref<50x128xi32, #tpu.memory_space<vmem>> -> memref<1x128xi32, #tpu.memory_space<vmem>>
    %dma_wait3A_591 = tpu.memref_squeeze %dma_wait3A_590 : memref<1x128xi32, #tpu.memory_space<vmem>> -> memref<128xi32, #tpu.memory_space<vmem>>
    %dma_wait3A_592 = arith.constant 0 : i32
    %dma_wait3A_593 = tpu.memref_slice %arg6[%dma_wait3A_592] : memref<100000000xf32, #tpu.memory_space<hbm>> -> memref<100000000xf32, #tpu.memory_space<hbm>>
    tpu.wait_indirect_dma semaphore(%arg17 : memref<!tpu.dma_semaphore, #tpu.memory_space<semaphore_mem>>) src(%dma_wait3A_593 : memref<100000000xf32, #tpu.memory_space<hbm>>) dst(%dma_wait3A_588 : memref<128xf32, #tpu.memory_space<vmem>>)
    %dma_wait3A_594 = arith.constant 29 : i32
    %dma_wait3A_595 = arith.constant 29 : i32
    %dma_wait3A_596 = arith.constant 0 : i32
    %dma_wait3A_597 = tpu.memref_slice %arg14[%dma_wait3A_595, %dma_wait3A_596] : memref<50x128xf32, #tpu.memory_space<vmem>> -> memref<1x128xf32, #tpu.memory_space<vmem>>
    %dma_wait3A_598 = tpu.memref_squeeze %dma_wait3A_597 : memref<1x128xf32, #tpu.memory_space<vmem>> -> memref<128xf32, #tpu.memory_space<vmem>>
    %dma_wait3A_599 = arith.constant 0 : i32
    %dma_wait3A_600 = tpu.memref_slice %arg12[%dma_wait3A_594, %dma_wait3A_599] : memref<50x128xi32, #tpu.memory_space<vmem>> -> memref<1x128xi32, #tpu.memory_space<vmem>>
    %dma_wait3A_601 = tpu.memref_squeeze %dma_wait3A_600 : memref<1x128xi32, #tpu.memory_space<vmem>> -> memref<128xi32, #tpu.memory_space<vmem>>
    %dma_wait3A_602 = arith.constant 0 : i32
    %dma_wait3A_603 = tpu.memref_slice %arg6[%dma_wait3A_602] : memref<100000000xf32, #tpu.memory_space<hbm>> -> memref<100000000xf32, #tpu.memory_space<hbm>>
    tpu.wait_indirect_dma semaphore(%arg17 : memref<!tpu.dma_semaphore, #tpu.memory_space<semaphore_mem>>) src(%dma_wait3A_603 : memref<100000000xf32, #tpu.memory_space<hbm>>) dst(%dma_wait3A_598 : memref<128xf32, #tpu.memory_space<vmem>>)
    %dma_start3A_604 = arith.constant 30 : i32
    %dma_start3A_605 = arith.constant 30 : i32
    %dma_start3A_606 = arith.constant 0 : i32
    %dma_start3A_607 = tpu.memref_slice %arg14[%dma_start3A_605, %dma_start3A_606] : memref<50x128xf32, #tpu.memory_space<vmem>> -> memref<1x128xf32, #tpu.memory_space<vmem>>
    %dma_start3A_608 = tpu.memref_squeeze %dma_start3A_607 : memref<1x128xf32, #tpu.memory_space<vmem>> -> memref<128xf32, #tpu.memory_space<vmem>>
    %dma_start3A_609 = arith.constant 0 : i32
    %dma_start3A_610 = tpu.memref_slice %arg12[%dma_start3A_604, %dma_start3A_609] : memref<50x128xi32, #tpu.memory_space<vmem>> -> memref<1x128xi32, #tpu.memory_space<vmem>>
    %dma_start3A_611 = tpu.memref_squeeze %dma_start3A_610 : memref<1x128xi32, #tpu.memory_space<vmem>> -> memref<128xi32, #tpu.memory_space<vmem>>
    %dma_start3A_612 = arith.constant 0 : i32
    %dma_start3A_613 = tpu.memref_slice %arg6[%dma_start3A_612] : memref<100000000xf32, #tpu.memory_space<hbm>> -> memref<100000000xf32, #tpu.memory_space<hbm>>
    tpu.enqueue_indirect_dma source(%dma_start3A_613 : memref<100000000xf32, #tpu.memory_space<hbm>>) target(%dma_start3A_608 : memref<128xf32, #tpu.memory_space<vmem>>) offsets(%dma_start3A_611 : memref<128xi32, #tpu.memory_space<vmem>>) semaphore(%arg17 : memref<!tpu.dma_semaphore, #tpu.memory_space<semaphore_mem>>)
    %dma_start3A_614 = arith.constant 31 : i32
    %dma_start3A_615 = arith.constant 31 : i32
    %dma_start3A_616 = arith.constant 0 : i32
    %dma_start3A_617 = tpu.memref_slice %arg14[%dma_start3A_615, %dma_start3A_616] : memref<50x128xf32, #tpu.memory_space<vmem>> -> memref<1x128xf32, #tpu.memory_space<vmem>>
    %dma_start3A_618 = tpu.memref_squeeze %dma_start3A_617 : memref<1x128xf32, #tpu.memory_space<vmem>> -> memref<128xf32, #tpu.memory_space<vmem>>
    %dma_start3A_619 = arith.constant 0 : i32
    %dma_start3A_620 = tpu.memref_slice %arg12[%dma_start3A_614, %dma_start3A_619] : memref<50x128xi32, #tpu.memory_space<vmem>> -> memref<1x128xi32, #tpu.memory_space<vmem>>
    %dma_start3A_621 = tpu.memref_squeeze %dma_start3A_620 : memref<1x128xi32, #tpu.memory_space<vmem>> -> memref<128xi32, #tpu.memory_space<vmem>>
    %dma_start3A_622 = arith.constant 0 : i32
    %dma_start3A_623 = tpu.memref_slice %arg6[%dma_start3A_622] : memref<100000000xf32, #tpu.memory_space<hbm>> -> memref<100000000xf32, #tpu.memory_space<hbm>>
    tpu.enqueue_indirect_dma source(%dma_start3A_623 : memref<100000000xf32, #tpu.memory_space<hbm>>) target(%dma_start3A_618 : memref<128xf32, #tpu.memory_space<vmem>>) offsets(%dma_start3A_621 : memref<128xi32, #tpu.memory_space<vmem>>) semaphore(%arg17 : memref<!tpu.dma_semaphore, #tpu.memory_space<semaphore_mem>>)
    %dma_start3A_624 = arith.constant 32 : i32
    %dma_start3A_625 = arith.constant 32 : i32
    %dma_start3A_626 = arith.constant 0 : i32
    %dma_start3A_627 = tpu.memref_slice %arg14[%dma_start3A_625, %dma_start3A_626] : memref<50x128xf32, #tpu.memory_space<vmem>> -> memref<1x128xf32, #tpu.memory_space<vmem>>
    %dma_start3A_628 = tpu.memref_squeeze %dma_start3A_627 : memref<1x128xf32, #tpu.memory_space<vmem>> -> memref<128xf32, #tpu.memory_space<vmem>>
    %dma_start3A_629 = arith.constant 0 : i32
    %dma_start3A_630 = tpu.memref_slice %arg12[%dma_start3A_624, %dma_start3A_629] : memref<50x128xi32, #tpu.memory_space<vmem>> -> memref<1x128xi32, #tpu.memory_space<vmem>>
    %dma_start3A_631 = tpu.memref_squeeze %dma_start3A_630 : memref<1x128xi32, #tpu.memory_space<vmem>> -> memref<128xi32, #tpu.memory_space<vmem>>
    %dma_start3A_632 = arith.constant 0 : i32
    %dma_start3A_633 = tpu.memref_slice %arg6[%dma_start3A_632] : memref<100000000xf32, #tpu.memory_space<hbm>> -> memref<100000000xf32, #tpu.memory_space<hbm>>
    tpu.enqueue_indirect_dma source(%dma_start3A_633 : memref<100000000xf32, #tpu.memory_space<hbm>>) target(%dma_start3A_628 : memref<128xf32, #tpu.memory_space<vmem>>) offsets(%dma_start3A_631 : memref<128xi32, #tpu.memory_space<vmem>>) semaphore(%arg17 : memref<!tpu.dma_semaphore, #tpu.memory_space<semaphore_mem>>)
    %dma_start3A_634 = arith.constant 33 : i32
    %dma_start3A_635 = arith.constant 33 : i32
    %dma_start3A_636 = arith.constant 0 : i32
    %dma_start3A_637 = tpu.memref_slice %arg14[%dma_start3A_635, %dma_start3A_636] : memref<50x128xf32, #tpu.memory_space<vmem>> -> memref<1x128xf32, #tpu.memory_space<vmem>>
    %dma_start3A_638 = tpu.memref_squeeze %dma_start3A_637 : memref<1x128xf32, #tpu.memory_space<vmem>> -> memref<128xf32, #tpu.memory_space<vmem>>
    %dma_start3A_639 = arith.constant 0 : i32
    %dma_start3A_640 = tpu.memref_slice %arg12[%dma_start3A_634, %dma_start3A_639] : memref<50x128xi32, #tpu.memory_space<vmem>> -> memref<1x128xi32, #tpu.memory_space<vmem>>
    %dma_start3A_641 = tpu.memref_squeeze %dma_start3A_640 : memref<1x128xi32, #tpu.memory_space<vmem>> -> memref<128xi32, #tpu.memory_space<vmem>>
    %dma_start3A_642 = arith.constant 0 : i32
    %dma_start3A_643 = tpu.memref_slice %arg6[%dma_start3A_642] : memref<100000000xf32, #tpu.memory_space<hbm>> -> memref<100000000xf32, #tpu.memory_space<hbm>>
    tpu.enqueue_indirect_dma source(%dma_start3A_643 : memref<100000000xf32, #tpu.memory_space<hbm>>) target(%dma_start3A_638 : memref<128xf32, #tpu.memory_space<vmem>>) offsets(%dma_start3A_641 : memref<128xi32, #tpu.memory_space<vmem>>) semaphore(%arg17 : memref<!tpu.dma_semaphore, #tpu.memory_space<semaphore_mem>>)
    %dma_start3A_644 = arith.constant 34 : i32
    %dma_start3A_645 = arith.constant 34 : i32
    %dma_start3A_646 = arith.constant 0 : i32
    %dma_start3A_647 = tpu.memref_slice %arg14[%dma_start3A_645, %dma_start3A_646] : memref<50x128xf32, #tpu.memory_space<vmem>> -> memref<1x128xf32, #tpu.memory_space<vmem>>
    %dma_start3A_648 = tpu.memref_squeeze %dma_start3A_647 : memref<1x128xf32, #tpu.memory_space<vmem>> -> memref<128xf32, #tpu.memory_space<vmem>>
    %dma_start3A_649 = arith.constant 0 : i32
    %dma_start3A_650 = tpu.memref_slice %arg12[%dma_start3A_644, %dma_start3A_649] : memref<50x128xi32, #tpu.memory_space<vmem>> -> memref<1x128xi32, #tpu.memory_space<vmem>>
    %dma_start3A_651 = tpu.memref_squeeze %dma_start3A_650 : memref<1x128xi32, #tpu.memory_space<vmem>> -> memref<128xi32, #tpu.memory_space<vmem>>
    %dma_start3A_652 = arith.constant 0 : i32
    %dma_start3A_653 = tpu.memref_slice %arg6[%dma_start3A_652] : memref<100000000xf32, #tpu.memory_space<hbm>> -> memref<100000000xf32, #tpu.memory_space<hbm>>
    tpu.enqueue_indirect_dma source(%dma_start3A_653 : memref<100000000xf32, #tpu.memory_space<hbm>>) target(%dma_start3A_648 : memref<128xf32, #tpu.memory_space<vmem>>) offsets(%dma_start3A_651 : memref<128xi32, #tpu.memory_space<vmem>>) semaphore(%arg17 : memref<!tpu.dma_semaphore, #tpu.memory_space<semaphore_mem>>)
    %dma_start3A_654 = arith.constant 35 : i32
    %dma_start3A_655 = arith.constant 35 : i32
    %dma_start3A_656 = arith.constant 0 : i32
    %dma_start3A_657 = tpu.memref_slice %arg14[%dma_start3A_655, %dma_start3A_656] : memref<50x128xf32, #tpu.memory_space<vmem>> -> memref<1x128xf32, #tpu.memory_space<vmem>>
    %dma_start3A_658 = tpu.memref_squeeze %dma_start3A_657 : memref<1x128xf32, #tpu.memory_space<vmem>> -> memref<128xf32, #tpu.memory_space<vmem>>
    %dma_start3A_659 = arith.constant 0 : i32
    %dma_start3A_660 = tpu.memref_slice %arg12[%dma_start3A_654, %dma_start3A_659] : memref<50x128xi32, #tpu.memory_space<vmem>> -> memref<1x128xi32, #tpu.memory_space<vmem>>
    %dma_start3A_661 = tpu.memref_squeeze %dma_start3A_660 : memref<1x128xi32, #tpu.memory_space<vmem>> -> memref<128xi32, #tpu.memory_space<vmem>>
    %dma_start3A_662 = arith.constant 0 : i32
    %dma_start3A_663 = tpu.memref_slice %arg6[%dma_start3A_662] : memref<100000000xf32, #tpu.memory_space<hbm>> -> memref<100000000xf32, #tpu.memory_space<hbm>>
    tpu.enqueue_indirect_dma source(%dma_start3A_663 : memref<100000000xf32, #tpu.memory_space<hbm>>) target(%dma_start3A_658 : memref<128xf32, #tpu.memory_space<vmem>>) offsets(%dma_start3A_661 : memref<128xi32, #tpu.memory_space<vmem>>) semaphore(%arg17 : memref<!tpu.dma_semaphore, #tpu.memory_space<semaphore_mem>>)
    %dma_start3A_664 = arith.constant 36 : i32
    %dma_start3A_665 = arith.constant 36 : i32
    %dma_start3A_666 = arith.constant 0 : i32
    %dma_start3A_667 = tpu.memref_slice %arg14[%dma_start3A_665, %dma_start3A_666] : memref<50x128xf32, #tpu.memory_space<vmem>> -> memref<1x128xf32, #tpu.memory_space<vmem>>
    %dma_start3A_668 = tpu.memref_squeeze %dma_start3A_667 : memref<1x128xf32, #tpu.memory_space<vmem>> -> memref<128xf32, #tpu.memory_space<vmem>>
    %dma_start3A_669 = arith.constant 0 : i32
    %dma_start3A_670 = tpu.memref_slice %arg12[%dma_start3A_664, %dma_start3A_669] : memref<50x128xi32, #tpu.memory_space<vmem>> -> memref<1x128xi32, #tpu.memory_space<vmem>>
    %dma_start3A_671 = tpu.memref_squeeze %dma_start3A_670 : memref<1x128xi32, #tpu.memory_space<vmem>> -> memref<128xi32, #tpu.memory_space<vmem>>
    %dma_start3A_672 = arith.constant 0 : i32
    %dma_start3A_673 = tpu.memref_slice %arg6[%dma_start3A_672] : memref<100000000xf32, #tpu.memory_space<hbm>> -> memref<100000000xf32, #tpu.memory_space<hbm>>
    tpu.enqueue_indirect_dma source(%dma_start3A_673 : memref<100000000xf32, #tpu.memory_space<hbm>>) target(%dma_start3A_668 : memref<128xf32, #tpu.memory_space<vmem>>) offsets(%dma_start3A_671 : memref<128xi32, #tpu.memory_space<vmem>>) semaphore(%arg17 : memref<!tpu.dma_semaphore, #tpu.memory_space<semaphore_mem>>)
    %dma_start3A_674 = arith.constant 37 : i32
    %dma_start3A_675 = arith.constant 37 : i32
    %dma_start3A_676 = arith.constant 0 : i32
    %dma_start3A_677 = tpu.memref_slice %arg14[%dma_start3A_675, %dma_start3A_676] : memref<50x128xf32, #tpu.memory_space<vmem>> -> memref<1x128xf32, #tpu.memory_space<vmem>>
    %dma_start3A_678 = tpu.memref_squeeze %dma_start3A_677 : memref<1x128xf32, #tpu.memory_space<vmem>> -> memref<128xf32, #tpu.memory_space<vmem>>
    %dma_start3A_679 = arith.constant 0 : i32
    %dma_start3A_680 = tpu.memref_slice %arg12[%dma_start3A_674, %dma_start3A_679] : memref<50x128xi32, #tpu.memory_space<vmem>> -> memref<1x128xi32, #tpu.memory_space<vmem>>
    %dma_start3A_681 = tpu.memref_squeeze %dma_start3A_680 : memref<1x128xi32, #tpu.memory_space<vmem>> -> memref<128xi32, #tpu.memory_space<vmem>>
    %dma_start3A_682 = arith.constant 0 : i32
    %dma_start3A_683 = tpu.memref_slice %arg6[%dma_start3A_682] : memref<100000000xf32, #tpu.memory_space<hbm>> -> memref<100000000xf32, #tpu.memory_space<hbm>>
    tpu.enqueue_indirect_dma source(%dma_start3A_683 : memref<100000000xf32, #tpu.memory_space<hbm>>) target(%dma_start3A_678 : memref<128xf32, #tpu.memory_space<vmem>>) offsets(%dma_start3A_681 : memref<128xi32, #tpu.memory_space<vmem>>) semaphore(%arg17 : memref<!tpu.dma_semaphore, #tpu.memory_space<semaphore_mem>>)
    %dma_start3A_684 = arith.constant 38 : i32
    %dma_start3A_685 = arith.constant 38 : i32
    %dma_start3A_686 = arith.constant 0 : i32
    %dma_start3A_687 = tpu.memref_slice %arg14[%dma_start3A_685, %dma_start3A_686] : memref<50x128xf32, #tpu.memory_space<vmem>> -> memref<1x128xf32, #tpu.memory_space<vmem>>
    %dma_start3A_688 = tpu.memref_squeeze %dma_start3A_687 : memref<1x128xf32, #tpu.memory_space<vmem>> -> memref<128xf32, #tpu.memory_space<vmem>>
    %dma_start3A_689 = arith.constant 0 : i32
    %dma_start3A_690 = tpu.memref_slice %arg12[%dma_start3A_684, %dma_start3A_689] : memref<50x128xi32, #tpu.memory_space<vmem>> -> memref<1x128xi32, #tpu.memory_space<vmem>>
    %dma_start3A_691 = tpu.memref_squeeze %dma_start3A_690 : memref<1x128xi32, #tpu.memory_space<vmem>> -> memref<128xi32, #tpu.memory_space<vmem>>
    %dma_start3A_692 = arith.constant 0 : i32
    %dma_start3A_693 = tpu.memref_slice %arg6[%dma_start3A_692] : memref<100000000xf32, #tpu.memory_space<hbm>> -> memref<100000000xf32, #tpu.memory_space<hbm>>
    tpu.enqueue_indirect_dma source(%dma_start3A_693 : memref<100000000xf32, #tpu.memory_space<hbm>>) target(%dma_start3A_688 : memref<128xf32, #tpu.memory_space<vmem>>) offsets(%dma_start3A_691 : memref<128xi32, #tpu.memory_space<vmem>>) semaphore(%arg17 : memref<!tpu.dma_semaphore, #tpu.memory_space<semaphore_mem>>)
    %dma_start3A_694 = arith.constant 39 : i32
    %dma_start3A_695 = arith.constant 39 : i32
    %dma_start3A_696 = arith.constant 0 : i32
    %dma_start3A_697 = tpu.memref_slice %arg14[%dma_start3A_695, %dma_start3A_696] : memref<50x128xf32, #tpu.memory_space<vmem>> -> memref<1x128xf32, #tpu.memory_space<vmem>>
    %dma_start3A_698 = tpu.memref_squeeze %dma_start3A_697 : memref<1x128xf32, #tpu.memory_space<vmem>> -> memref<128xf32, #tpu.memory_space<vmem>>
    %dma_start3A_699 = arith.constant 0 : i32
    %dma_start3A_700 = tpu.memref_slice %arg12[%dma_start3A_694, %dma_start3A_699] : memref<50x128xi32, #tpu.memory_space<vmem>> -> memref<1x128xi32, #tpu.memory_space<vmem>>
    %dma_start3A_701 = tpu.memref_squeeze %dma_start3A_700 : memref<1x128xi32, #tpu.memory_space<vmem>> -> memref<128xi32, #tpu.memory_space<vmem>>
    %dma_start3A_702 = arith.constant 0 : i32
    %dma_start3A_703 = tpu.memref_slice %arg6[%dma_start3A_702] : memref<100000000xf32, #tpu.memory_space<hbm>> -> memref<100000000xf32, #tpu.memory_space<hbm>>
    tpu.enqueue_indirect_dma source(%dma_start3A_703 : memref<100000000xf32, #tpu.memory_space<hbm>>) target(%dma_start3A_698 : memref<128xf32, #tpu.memory_space<vmem>>) offsets(%dma_start3A_701 : memref<128xi32, #tpu.memory_space<vmem>>) semaphore(%arg17 : memref<!tpu.dma_semaphore, #tpu.memory_space<semaphore_mem>>)
    %dma_wait3A_704 = arith.constant 30 : i32
    %dma_wait3A_705 = arith.constant 30 : i32
    %dma_wait3A_706 = arith.constant 0 : i32
    %dma_wait3A_707 = tpu.memref_slice %arg14[%dma_wait3A_705, %dma_wait3A_706] : memref<50x128xf32, #tpu.memory_space<vmem>> -> memref<1x128xf32, #tpu.memory_space<vmem>>
    %dma_wait3A_708 = tpu.memref_squeeze %dma_wait3A_707 : memref<1x128xf32, #tpu.memory_space<vmem>> -> memref<128xf32, #tpu.memory_space<vmem>>
    %dma_wait3A_709 = arith.constant 0 : i32
    %dma_wait3A_710 = tpu.memref_slice %arg12[%dma_wait3A_704, %dma_wait3A_709] : memref<50x128xi32, #tpu.memory_space<vmem>> -> memref<1x128xi32, #tpu.memory_space<vmem>>
    %dma_wait3A_711 = tpu.memref_squeeze %dma_wait3A_710 : memref<1x128xi32, #tpu.memory_space<vmem>> -> memref<128xi32, #tpu.memory_space<vmem>>
    %dma_wait3A_712 = arith.constant 0 : i32
    %dma_wait3A_713 = tpu.memref_slice %arg6[%dma_wait3A_712] : memref<100000000xf32, #tpu.memory_space<hbm>> -> memref<100000000xf32, #tpu.memory_space<hbm>>
    tpu.wait_indirect_dma semaphore(%arg17 : memref<!tpu.dma_semaphore, #tpu.memory_space<semaphore_mem>>) src(%dma_wait3A_713 : memref<100000000xf32, #tpu.memory_space<hbm>>) dst(%dma_wait3A_708 : memref<128xf32, #tpu.memory_space<vmem>>)
    %dma_wait3A_714 = arith.constant 31 : i32
    %dma_wait3A_715 = arith.constant 31 : i32
    %dma_wait3A_716 = arith.constant 0 : i32
    %dma_wait3A_717 = tpu.memref_slice %arg14[%dma_wait3A_715, %dma_wait3A_716] : memref<50x128xf32, #tpu.memory_space<vmem>> -> memref<1x128xf32, #tpu.memory_space<vmem>>
    %dma_wait3A_718 = tpu.memref_squeeze %dma_wait3A_717 : memref<1x128xf32, #tpu.memory_space<vmem>> -> memref<128xf32, #tpu.memory_space<vmem>>
    %dma_wait3A_719 = arith.constant 0 : i32
    %dma_wait3A_720 = tpu.memref_slice %arg12[%dma_wait3A_714, %dma_wait3A_719] : memref<50x128xi32, #tpu.memory_space<vmem>> -> memref<1x128xi32, #tpu.memory_space<vmem>>
    %dma_wait3A_721 = tpu.memref_squeeze %dma_wait3A_720 : memref<1x128xi32, #tpu.memory_space<vmem>> -> memref<128xi32, #tpu.memory_space<vmem>>
    %dma_wait3A_722 = arith.constant 0 : i32
    %dma_wait3A_723 = tpu.memref_slice %arg6[%dma_wait3A_722] : memref<100000000xf32, #tpu.memory_space<hbm>> -> memref<100000000xf32, #tpu.memory_space<hbm>>
    tpu.wait_indirect_dma semaphore(%arg17 : memref<!tpu.dma_semaphore, #tpu.memory_space<semaphore_mem>>) src(%dma_wait3A_723 : memref<100000000xf32, #tpu.memory_space<hbm>>) dst(%dma_wait3A_718 : memref<128xf32, #tpu.memory_space<vmem>>)
    %dma_wait3A_724 = arith.constant 32 : i32
    %dma_wait3A_725 = arith.constant 32 : i32
    %dma_wait3A_726 = arith.constant 0 : i32
    %dma_wait3A_727 = tpu.memref_slice %arg14[%dma_wait3A_725, %dma_wait3A_726] : memref<50x128xf32, #tpu.memory_space<vmem>> -> memref<1x128xf32, #tpu.memory_space<vmem>>
    %dma_wait3A_728 = tpu.memref_squeeze %dma_wait3A_727 : memref<1x128xf32, #tpu.memory_space<vmem>> -> memref<128xf32, #tpu.memory_space<vmem>>
    %dma_wait3A_729 = arith.constant 0 : i32
    %dma_wait3A_730 = tpu.memref_slice %arg12[%dma_wait3A_724, %dma_wait3A_729] : memref<50x128xi32, #tpu.memory_space<vmem>> -> memref<1x128xi32, #tpu.memory_space<vmem>>
    %dma_wait3A_731 = tpu.memref_squeeze %dma_wait3A_730 : memref<1x128xi32, #tpu.memory_space<vmem>> -> memref<128xi32, #tpu.memory_space<vmem>>
    %dma_wait3A_732 = arith.constant 0 : i32
    %dma_wait3A_733 = tpu.memref_slice %arg6[%dma_wait3A_732] : memref<100000000xf32, #tpu.memory_space<hbm>> -> memref<100000000xf32, #tpu.memory_space<hbm>>
    tpu.wait_indirect_dma semaphore(%arg17 : memref<!tpu.dma_semaphore, #tpu.memory_space<semaphore_mem>>) src(%dma_wait3A_733 : memref<100000000xf32, #tpu.memory_space<hbm>>) dst(%dma_wait3A_728 : memref<128xf32, #tpu.memory_space<vmem>>)
    %dma_wait3A_734 = arith.constant 33 : i32
    %dma_wait3A_735 = arith.constant 33 : i32
    %dma_wait3A_736 = arith.constant 0 : i32
    %dma_wait3A_737 = tpu.memref_slice %arg14[%dma_wait3A_735, %dma_wait3A_736] : memref<50x128xf32, #tpu.memory_space<vmem>> -> memref<1x128xf32, #tpu.memory_space<vmem>>
    %dma_wait3A_738 = tpu.memref_squeeze %dma_wait3A_737 : memref<1x128xf32, #tpu.memory_space<vmem>> -> memref<128xf32, #tpu.memory_space<vmem>>
    %dma_wait3A_739 = arith.constant 0 : i32
    %dma_wait3A_740 = tpu.memref_slice %arg12[%dma_wait3A_734, %dma_wait3A_739] : memref<50x128xi32, #tpu.memory_space<vmem>> -> memref<1x128xi32, #tpu.memory_space<vmem>>
    %dma_wait3A_741 = tpu.memref_squeeze %dma_wait3A_740 : memref<1x128xi32, #tpu.memory_space<vmem>> -> memref<128xi32, #tpu.memory_space<vmem>>
    %dma_wait3A_742 = arith.constant 0 : i32
    %dma_wait3A_743 = tpu.memref_slice %arg6[%dma_wait3A_742] : memref<100000000xf32, #tpu.memory_space<hbm>> -> memref<100000000xf32, #tpu.memory_space<hbm>>
    tpu.wait_indirect_dma semaphore(%arg17 : memref<!tpu.dma_semaphore, #tpu.memory_space<semaphore_mem>>) src(%dma_wait3A_743 : memref<100000000xf32, #tpu.memory_space<hbm>>) dst(%dma_wait3A_738 : memref<128xf32, #tpu.memory_space<vmem>>)
    %dma_wait3A_744 = arith.constant 34 : i32
    %dma_wait3A_745 = arith.constant 34 : i32
    %dma_wait3A_746 = arith.constant 0 : i32
    %dma_wait3A_747 = tpu.memref_slice %arg14[%dma_wait3A_745, %dma_wait3A_746] : memref<50x128xf32, #tpu.memory_space<vmem>> -> memref<1x128xf32, #tpu.memory_space<vmem>>
    %dma_wait3A_748 = tpu.memref_squeeze %dma_wait3A_747 : memref<1x128xf32, #tpu.memory_space<vmem>> -> memref<128xf32, #tpu.memory_space<vmem>>
    %dma_wait3A_749 = arith.constant 0 : i32
    %dma_wait3A_750 = tpu.memref_slice %arg12[%dma_wait3A_744, %dma_wait3A_749] : memref<50x128xi32, #tpu.memory_space<vmem>> -> memref<1x128xi32, #tpu.memory_space<vmem>>
    %dma_wait3A_751 = tpu.memref_squeeze %dma_wait3A_750 : memref<1x128xi32, #tpu.memory_space<vmem>> -> memref<128xi32, #tpu.memory_space<vmem>>
    %dma_wait3A_752 = arith.constant 0 : i32
    %dma_wait3A_753 = tpu.memref_slice %arg6[%dma_wait3A_752] : memref<100000000xf32, #tpu.memory_space<hbm>> -> memref<100000000xf32, #tpu.memory_space<hbm>>
    tpu.wait_indirect_dma semaphore(%arg17 : memref<!tpu.dma_semaphore, #tpu.memory_space<semaphore_mem>>) src(%dma_wait3A_753 : memref<100000000xf32, #tpu.memory_space<hbm>>) dst(%dma_wait3A_748 : memref<128xf32, #tpu.memory_space<vmem>>)
    %dma_wait3A_754 = arith.constant 35 : i32
    %dma_wait3A_755 = arith.constant 35 : i32
    %dma_wait3A_756 = arith.constant 0 : i32
    %dma_wait3A_757 = tpu.memref_slice %arg14[%dma_wait3A_755, %dma_wait3A_756] : memref<50x128xf32, #tpu.memory_space<vmem>> -> memref<1x128xf32, #tpu.memory_space<vmem>>
    %dma_wait3A_758 = tpu.memref_squeeze %dma_wait3A_757 : memref<1x128xf32, #tpu.memory_space<vmem>> -> memref<128xf32, #tpu.memory_space<vmem>>
    %dma_wait3A_759 = arith.constant 0 : i32
    %dma_wait3A_760 = tpu.memref_slice %arg12[%dma_wait3A_754, %dma_wait3A_759] : memref<50x128xi32, #tpu.memory_space<vmem>> -> memref<1x128xi32, #tpu.memory_space<vmem>>
    %dma_wait3A_761 = tpu.memref_squeeze %dma_wait3A_760 : memref<1x128xi32, #tpu.memory_space<vmem>> -> memref<128xi32, #tpu.memory_space<vmem>>
    %dma_wait3A_762 = arith.constant 0 : i32
    %dma_wait3A_763 = tpu.memref_slice %arg6[%dma_wait3A_762] : memref<100000000xf32, #tpu.memory_space<hbm>> -> memref<100000000xf32, #tpu.memory_space<hbm>>
    tpu.wait_indirect_dma semaphore(%arg17 : memref<!tpu.dma_semaphore, #tpu.memory_space<semaphore_mem>>) src(%dma_wait3A_763 : memref<100000000xf32, #tpu.memory_space<hbm>>) dst(%dma_wait3A_758 : memref<128xf32, #tpu.memory_space<vmem>>)
    %dma_wait3A_764 = arith.constant 36 : i32
    %dma_wait3A_765 = arith.constant 36 : i32
    %dma_wait3A_766 = arith.constant 0 : i32
    %dma_wait3A_767 = tpu.memref_slice %arg14[%dma_wait3A_765, %dma_wait3A_766] : memref<50x128xf32, #tpu.memory_space<vmem>> -> memref<1x128xf32, #tpu.memory_space<vmem>>
    %dma_wait3A_768 = tpu.memref_squeeze %dma_wait3A_767 : memref<1x128xf32, #tpu.memory_space<vmem>> -> memref<128xf32, #tpu.memory_space<vmem>>
    %dma_wait3A_769 = arith.constant 0 : i32
    %dma_wait3A_770 = tpu.memref_slice %arg12[%dma_wait3A_764, %dma_wait3A_769] : memref<50x128xi32, #tpu.memory_space<vmem>> -> memref<1x128xi32, #tpu.memory_space<vmem>>
    %dma_wait3A_771 = tpu.memref_squeeze %dma_wait3A_770 : memref<1x128xi32, #tpu.memory_space<vmem>> -> memref<128xi32, #tpu.memory_space<vmem>>
    %dma_wait3A_772 = arith.constant 0 : i32
    %dma_wait3A_773 = tpu.memref_slice %arg6[%dma_wait3A_772] : memref<100000000xf32, #tpu.memory_space<hbm>> -> memref<100000000xf32, #tpu.memory_space<hbm>>
    tpu.wait_indirect_dma semaphore(%arg17 : memref<!tpu.dma_semaphore, #tpu.memory_space<semaphore_mem>>) src(%dma_wait3A_773 : memref<100000000xf32, #tpu.memory_space<hbm>>) dst(%dma_wait3A_768 : memref<128xf32, #tpu.memory_space<vmem>>)
    %dma_wait3A_774 = arith.constant 37 : i32
    %dma_wait3A_775 = arith.constant 37 : i32
    %dma_wait3A_776 = arith.constant 0 : i32
    %dma_wait3A_777 = tpu.memref_slice %arg14[%dma_wait3A_775, %dma_wait3A_776] : memref<50x128xf32, #tpu.memory_space<vmem>> -> memref<1x128xf32, #tpu.memory_space<vmem>>
    %dma_wait3A_778 = tpu.memref_squeeze %dma_wait3A_777 : memref<1x128xf32, #tpu.memory_space<vmem>> -> memref<128xf32, #tpu.memory_space<vmem>>
    %dma_wait3A_779 = arith.constant 0 : i32
    %dma_wait3A_780 = tpu.memref_slice %arg12[%dma_wait3A_774, %dma_wait3A_779] : memref<50x128xi32, #tpu.memory_space<vmem>> -> memref<1x128xi32, #tpu.memory_space<vmem>>
    %dma_wait3A_781 = tpu.memref_squeeze %dma_wait3A_780 : memref<1x128xi32, #tpu.memory_space<vmem>> -> memref<128xi32, #tpu.memory_space<vmem>>
    %dma_wait3A_782 = arith.constant 0 : i32
    %dma_wait3A_783 = tpu.memref_slice %arg6[%dma_wait3A_782] : memref<100000000xf32, #tpu.memory_space<hbm>> -> memref<100000000xf32, #tpu.memory_space<hbm>>
    tpu.wait_indirect_dma semaphore(%arg17 : memref<!tpu.dma_semaphore, #tpu.memory_space<semaphore_mem>>) src(%dma_wait3A_783 : memref<100000000xf32, #tpu.memory_space<hbm>>) dst(%dma_wait3A_778 : memref<128xf32, #tpu.memory_space<vmem>>)
    %dma_wait3A_784 = arith.constant 38 : i32
    %dma_wait3A_785 = arith.constant 38 : i32
    %dma_wait3A_786 = arith.constant 0 : i32
    %dma_wait3A_787 = tpu.memref_slice %arg14[%dma_wait3A_785, %dma_wait3A_786] : memref<50x128xf32, #tpu.memory_space<vmem>> -> memref<1x128xf32, #tpu.memory_space<vmem>>
    %dma_wait3A_788 = tpu.memref_squeeze %dma_wait3A_787 : memref<1x128xf32, #tpu.memory_space<vmem>> -> memref<128xf32, #tpu.memory_space<vmem>>
    %dma_wait3A_789 = arith.constant 0 : i32
    %dma_wait3A_790 = tpu.memref_slice %arg12[%dma_wait3A_784, %dma_wait3A_789] : memref<50x128xi32, #tpu.memory_space<vmem>> -> memref<1x128xi32, #tpu.memory_space<vmem>>
    %dma_wait3A_791 = tpu.memref_squeeze %dma_wait3A_790 : memref<1x128xi32, #tpu.memory_space<vmem>> -> memref<128xi32, #tpu.memory_space<vmem>>
    %dma_wait3A_792 = arith.constant 0 : i32
    %dma_wait3A_793 = tpu.memref_slice %arg6[%dma_wait3A_792] : memref<100000000xf32, #tpu.memory_space<hbm>> -> memref<100000000xf32, #tpu.memory_space<hbm>>
    tpu.wait_indirect_dma semaphore(%arg17 : memref<!tpu.dma_semaphore, #tpu.memory_space<semaphore_mem>>) src(%dma_wait3A_793 : memref<100000000xf32, #tpu.memory_space<hbm>>) dst(%dma_wait3A_788 : memref<128xf32, #tpu.memory_space<vmem>>)
    %dma_wait3A_794 = arith.constant 39 : i32
    %dma_wait3A_795 = arith.constant 39 : i32
    %dma_wait3A_796 = arith.constant 0 : i32
    %dma_wait3A_797 = tpu.memref_slice %arg14[%dma_wait3A_795, %dma_wait3A_796] : memref<50x128xf32, #tpu.memory_space<vmem>> -> memref<1x128xf32, #tpu.memory_space<vmem>>
    %dma_wait3A_798 = tpu.memref_squeeze %dma_wait3A_797 : memref<1x128xf32, #tpu.memory_space<vmem>> -> memref<128xf32, #tpu.memory_space<vmem>>
    %dma_wait3A_799 = arith.constant 0 : i32
    %dma_wait3A_800 = tpu.memref_slice %arg12[%dma_wait3A_794, %dma_wait3A_799] : memref<50x128xi32, #tpu.memory_space<vmem>> -> memref<1x128xi32, #tpu.memory_space<vmem>>
    %dma_wait3A_801 = tpu.memref_squeeze %dma_wait3A_800 : memref<1x128xi32, #tpu.memory_space<vmem>> -> memref<128xi32, #tpu.memory_space<vmem>>
    %dma_wait3A_802 = arith.constant 0 : i32
    %dma_wait3A_803 = tpu.memref_slice %arg6[%dma_wait3A_802] : memref<100000000xf32, #tpu.memory_space<hbm>> -> memref<100000000xf32, #tpu.memory_space<hbm>>
    tpu.wait_indirect_dma semaphore(%arg17 : memref<!tpu.dma_semaphore, #tpu.memory_space<semaphore_mem>>) src(%dma_wait3A_803 : memref<100000000xf32, #tpu.memory_space<hbm>>) dst(%dma_wait3A_798 : memref<128xf32, #tpu.memory_space<vmem>>)
    %dma_start3A_804 = arith.constant 40 : i32
    %dma_start3A_805 = arith.constant 40 : i32
    %dma_start3A_806 = arith.constant 0 : i32
    %dma_start3A_807 = tpu.memref_slice %arg14[%dma_start3A_805, %dma_start3A_806] : memref<50x128xf32, #tpu.memory_space<vmem>> -> memref<1x128xf32, #tpu.memory_space<vmem>>
    %dma_start3A_808 = tpu.memref_squeeze %dma_start3A_807 : memref<1x128xf32, #tpu.memory_space<vmem>> -> memref<128xf32, #tpu.memory_space<vmem>>
    %dma_start3A_809 = arith.constant 0 : i32
    %dma_start3A_810 = tpu.memref_slice %arg12[%dma_start3A_804, %dma_start3A_809] : memref<50x128xi32, #tpu.memory_space<vmem>> -> memref<1x128xi32, #tpu.memory_space<vmem>>
    %dma_start3A_811 = tpu.memref_squeeze %dma_start3A_810 : memref<1x128xi32, #tpu.memory_space<vmem>> -> memref<128xi32, #tpu.memory_space<vmem>>
    %dma_start3A_812 = arith.constant 0 : i32
    %dma_start3A_813 = tpu.memref_slice %arg6[%dma_start3A_812] : memref<100000000xf32, #tpu.memory_space<hbm>> -> memref<100000000xf32, #tpu.memory_space<hbm>>
    tpu.enqueue_indirect_dma source(%dma_start3A_813 : memref<100000000xf32, #tpu.memory_space<hbm>>) target(%dma_start3A_808 : memref<128xf32, #tpu.memory_space<vmem>>) offsets(%dma_start3A_811 : memref<128xi32, #tpu.memory_space<vmem>>) semaphore(%arg17 : memref<!tpu.dma_semaphore, #tpu.memory_space<semaphore_mem>>)
    %dma_start3A_814 = arith.constant 41 : i32
    %dma_start3A_815 = arith.constant 41 : i32
    %dma_start3A_816 = arith.constant 0 : i32
    %dma_start3A_817 = tpu.memref_slice %arg14[%dma_start3A_815, %dma_start3A_816] : memref<50x128xf32, #tpu.memory_space<vmem>> -> memref<1x128xf32, #tpu.memory_space<vmem>>
    %dma_start3A_818 = tpu.memref_squeeze %dma_start3A_817 : memref<1x128xf32, #tpu.memory_space<vmem>> -> memref<128xf32, #tpu.memory_space<vmem>>
    %dma_start3A_819 = arith.constant 0 : i32
    %dma_start3A_820 = tpu.memref_slice %arg12[%dma_start3A_814, %dma_start3A_819] : memref<50x128xi32, #tpu.memory_space<vmem>> -> memref<1x128xi32, #tpu.memory_space<vmem>>
    %dma_start3A_821 = tpu.memref_squeeze %dma_start3A_820 : memref<1x128xi32, #tpu.memory_space<vmem>> -> memref<128xi32, #tpu.memory_space<vmem>>
    %dma_start3A_822 = arith.constant 0 : i32
    %dma_start3A_823 = tpu.memref_slice %arg6[%dma_start3A_822] : memref<100000000xf32, #tpu.memory_space<hbm>> -> memref<100000000xf32, #tpu.memory_space<hbm>>
    tpu.enqueue_indirect_dma source(%dma_start3A_823 : memref<100000000xf32, #tpu.memory_space<hbm>>) target(%dma_start3A_818 : memref<128xf32, #tpu.memory_space<vmem>>) offsets(%dma_start3A_821 : memref<128xi32, #tpu.memory_space<vmem>>) semaphore(%arg17 : memref<!tpu.dma_semaphore, #tpu.memory_space<semaphore_mem>>)
    %dma_start3A_824 = arith.constant 42 : i32
    %dma_start3A_825 = arith.constant 42 : i32
    %dma_start3A_826 = arith.constant 0 : i32
    %dma_start3A_827 = tpu.memref_slice %arg14[%dma_start3A_825, %dma_start3A_826] : memref<50x128xf32, #tpu.memory_space<vmem>> -> memref<1x128xf32, #tpu.memory_space<vmem>>
    %dma_start3A_828 = tpu.memref_squeeze %dma_start3A_827 : memref<1x128xf32, #tpu.memory_space<vmem>> -> memref<128xf32, #tpu.memory_space<vmem>>
    %dma_start3A_829 = arith.constant 0 : i32
    %dma_start3A_830 = tpu.memref_slice %arg12[%dma_start3A_824, %dma_start3A_829] : memref<50x128xi32, #tpu.memory_space<vmem>> -> memref<1x128xi32, #tpu.memory_space<vmem>>
    %dma_start3A_831 = tpu.memref_squeeze %dma_start3A_830 : memref<1x128xi32, #tpu.memory_space<vmem>> -> memref<128xi32, #tpu.memory_space<vmem>>
    %dma_start3A_832 = arith.constant 0 : i32
    %dma_start3A_833 = tpu.memref_slice %arg6[%dma_start3A_832] : memref<100000000xf32, #tpu.memory_space<hbm>> -> memref<100000000xf32, #tpu.memory_space<hbm>>
    tpu.enqueue_indirect_dma source(%dma_start3A_833 : memref<100000000xf32, #tpu.memory_space<hbm>>) target(%dma_start3A_828 : memref<128xf32, #tpu.memory_space<vmem>>) offsets(%dma_start3A_831 : memref<128xi32, #tpu.memory_space<vmem>>) semaphore(%arg17 : memref<!tpu.dma_semaphore, #tpu.memory_space<semaphore_mem>>)
    %dma_start3A_834 = arith.constant 43 : i32
    %dma_start3A_835 = arith.constant 43 : i32
    %dma_start3A_836 = arith.constant 0 : i32
    %dma_start3A_837 = tpu.memref_slice %arg14[%dma_start3A_835, %dma_start3A_836] : memref<50x128xf32, #tpu.memory_space<vmem>> -> memref<1x128xf32, #tpu.memory_space<vmem>>
    %dma_start3A_838 = tpu.memref_squeeze %dma_start3A_837 : memref<1x128xf32, #tpu.memory_space<vmem>> -> memref<128xf32, #tpu.memory_space<vmem>>
    %dma_start3A_839 = arith.constant 0 : i32
    %dma_start3A_840 = tpu.memref_slice %arg12[%dma_start3A_834, %dma_start3A_839] : memref<50x128xi32, #tpu.memory_space<vmem>> -> memref<1x128xi32, #tpu.memory_space<vmem>>
    %dma_start3A_841 = tpu.memref_squeeze %dma_start3A_840 : memref<1x128xi32, #tpu.memory_space<vmem>> -> memref<128xi32, #tpu.memory_space<vmem>>
    %dma_start3A_842 = arith.constant 0 : i32
    %dma_start3A_843 = tpu.memref_slice %arg6[%dma_start3A_842] : memref<100000000xf32, #tpu.memory_space<hbm>> -> memref<100000000xf32, #tpu.memory_space<hbm>>
    tpu.enqueue_indirect_dma source(%dma_start3A_843 : memref<100000000xf32, #tpu.memory_space<hbm>>) target(%dma_start3A_838 : memref<128xf32, #tpu.memory_space<vmem>>) offsets(%dma_start3A_841 : memref<128xi32, #tpu.memory_space<vmem>>) semaphore(%arg17 : memref<!tpu.dma_semaphore, #tpu.memory_space<semaphore_mem>>)
    %dma_start3A_844 = arith.constant 44 : i32
    %dma_start3A_845 = arith.constant 44 : i32
    %dma_start3A_846 = arith.constant 0 : i32
    %dma_start3A_847 = tpu.memref_slice %arg14[%dma_start3A_845, %dma_start3A_846] : memref<50x128xf32, #tpu.memory_space<vmem>> -> memref<1x128xf32, #tpu.memory_space<vmem>>
    %dma_start3A_848 = tpu.memref_squeeze %dma_start3A_847 : memref<1x128xf32, #tpu.memory_space<vmem>> -> memref<128xf32, #tpu.memory_space<vmem>>
    %dma_start3A_849 = arith.constant 0 : i32
    %dma_start3A_850 = tpu.memref_slice %arg12[%dma_start3A_844, %dma_start3A_849] : memref<50x128xi32, #tpu.memory_space<vmem>> -> memref<1x128xi32, #tpu.memory_space<vmem>>
    %dma_start3A_851 = tpu.memref_squeeze %dma_start3A_850 : memref<1x128xi32, #tpu.memory_space<vmem>> -> memref<128xi32, #tpu.memory_space<vmem>>
    %dma_start3A_852 = arith.constant 0 : i32
    %dma_start3A_853 = tpu.memref_slice %arg6[%dma_start3A_852] : memref<100000000xf32, #tpu.memory_space<hbm>> -> memref<100000000xf32, #tpu.memory_space<hbm>>
    tpu.enqueue_indirect_dma source(%dma_start3A_853 : memref<100000000xf32, #tpu.memory_space<hbm>>) target(%dma_start3A_848 : memref<128xf32, #tpu.memory_space<vmem>>) offsets(%dma_start3A_851 : memref<128xi32, #tpu.memory_space<vmem>>) semaphore(%arg17 : memref<!tpu.dma_semaphore, #tpu.memory_space<semaphore_mem>>)
    %dma_start3A_854 = arith.constant 45 : i32
    %dma_start3A_855 = arith.constant 45 : i32
    %dma_start3A_856 = arith.constant 0 : i32
    %dma_start3A_857 = tpu.memref_slice %arg14[%dma_start3A_855, %dma_start3A_856] : memref<50x128xf32, #tpu.memory_space<vmem>> -> memref<1x128xf32, #tpu.memory_space<vmem>>
    %dma_start3A_858 = tpu.memref_squeeze %dma_start3A_857 : memref<1x128xf32, #tpu.memory_space<vmem>> -> memref<128xf32, #tpu.memory_space<vmem>>
    %dma_start3A_859 = arith.constant 0 : i32
    %dma_start3A_860 = tpu.memref_slice %arg12[%dma_start3A_854, %dma_start3A_859] : memref<50x128xi32, #tpu.memory_space<vmem>> -> memref<1x128xi32, #tpu.memory_space<vmem>>
    %dma_start3A_861 = tpu.memref_squeeze %dma_start3A_860 : memref<1x128xi32, #tpu.memory_space<vmem>> -> memref<128xi32, #tpu.memory_space<vmem>>
    %dma_start3A_862 = arith.constant 0 : i32
    %dma_start3A_863 = tpu.memref_slice %arg6[%dma_start3A_862] : memref<100000000xf32, #tpu.memory_space<hbm>> -> memref<100000000xf32, #tpu.memory_space<hbm>>
    tpu.enqueue_indirect_dma source(%dma_start3A_863 : memref<100000000xf32, #tpu.memory_space<hbm>>) target(%dma_start3A_858 : memref<128xf32, #tpu.memory_space<vmem>>) offsets(%dma_start3A_861 : memref<128xi32, #tpu.memory_space<vmem>>) semaphore(%arg17 : memref<!tpu.dma_semaphore, #tpu.memory_space<semaphore_mem>>)
    %dma_start3A_864 = arith.constant 46 : i32
    %dma_start3A_865 = arith.constant 46 : i32
    %dma_start3A_866 = arith.constant 0 : i32
    %dma_start3A_867 = tpu.memref_slice %arg14[%dma_start3A_865, %dma_start3A_866] : memref<50x128xf32, #tpu.memory_space<vmem>> -> memref<1x128xf32, #tpu.memory_space<vmem>>
    %dma_start3A_868 = tpu.memref_squeeze %dma_start3A_867 : memref<1x128xf32, #tpu.memory_space<vmem>> -> memref<128xf32, #tpu.memory_space<vmem>>
    %dma_start3A_869 = arith.constant 0 : i32
    %dma_start3A_870 = tpu.memref_slice %arg12[%dma_start3A_864, %dma_start3A_869] : memref<50x128xi32, #tpu.memory_space<vmem>> -> memref<1x128xi32, #tpu.memory_space<vmem>>
    %dma_start3A_871 = tpu.memref_squeeze %dma_start3A_870 : memref<1x128xi32, #tpu.memory_space<vmem>> -> memref<128xi32, #tpu.memory_space<vmem>>
    %dma_start3A_872 = arith.constant 0 : i32
    %dma_start3A_873 = tpu.memref_slice %arg6[%dma_start3A_872] : memref<100000000xf32, #tpu.memory_space<hbm>> -> memref<100000000xf32, #tpu.memory_space<hbm>>
    tpu.enqueue_indirect_dma source(%dma_start3A_873 : memref<100000000xf32, #tpu.memory_space<hbm>>) target(%dma_start3A_868 : memref<128xf32, #tpu.memory_space<vmem>>) offsets(%dma_start3A_871 : memref<128xi32, #tpu.memory_space<vmem>>) semaphore(%arg17 : memref<!tpu.dma_semaphore, #tpu.memory_space<semaphore_mem>>)
    %dma_start3A_874 = arith.constant 47 : i32
    %dma_start3A_875 = arith.constant 47 : i32
    %dma_start3A_876 = arith.constant 0 : i32
    %dma_start3A_877 = tpu.memref_slice %arg14[%dma_start3A_875, %dma_start3A_876] : memref<50x128xf32, #tpu.memory_space<vmem>> -> memref<1x128xf32, #tpu.memory_space<vmem>>
    %dma_start3A_878 = tpu.memref_squeeze %dma_start3A_877 : memref<1x128xf32, #tpu.memory_space<vmem>> -> memref<128xf32, #tpu.memory_space<vmem>>
    %dma_start3A_879 = arith.constant 0 : i32
    %dma_start3A_880 = tpu.memref_slice %arg12[%dma_start3A_874, %dma_start3A_879] : memref<50x128xi32, #tpu.memory_space<vmem>> -> memref<1x128xi32, #tpu.memory_space<vmem>>
    %dma_start3A_881 = tpu.memref_squeeze %dma_start3A_880 : memref<1x128xi32, #tpu.memory_space<vmem>> -> memref<128xi32, #tpu.memory_space<vmem>>
    %dma_start3A_882 = arith.constant 0 : i32
    %dma_start3A_883 = tpu.memref_slice %arg6[%dma_start3A_882] : memref<100000000xf32, #tpu.memory_space<hbm>> -> memref<100000000xf32, #tpu.memory_space<hbm>>
    tpu.enqueue_indirect_dma source(%dma_start3A_883 : memref<100000000xf32, #tpu.memory_space<hbm>>) target(%dma_start3A_878 : memref<128xf32, #tpu.memory_space<vmem>>) offsets(%dma_start3A_881 : memref<128xi32, #tpu.memory_space<vmem>>) semaphore(%arg17 : memref<!tpu.dma_semaphore, #tpu.memory_space<semaphore_mem>>)
    %dma_start3A_884 = arith.constant 48 : i32
    %dma_start3A_885 = arith.constant 48 : i32
    %dma_start3A_886 = arith.constant 0 : i32
    %dma_start3A_887 = tpu.memref_slice %arg14[%dma_start3A_885, %dma_start3A_886] : memref<50x128xf32, #tpu.memory_space<vmem>> -> memref<1x128xf32, #tpu.memory_space<vmem>>
    %dma_start3A_888 = tpu.memref_squeeze %dma_start3A_887 : memref<1x128xf32, #tpu.memory_space<vmem>> -> memref<128xf32, #tpu.memory_space<vmem>>
    %dma_start3A_889 = arith.constant 0 : i32
    %dma_start3A_890 = tpu.memref_slice %arg12[%dma_start3A_884, %dma_start3A_889] : memref<50x128xi32, #tpu.memory_space<vmem>> -> memref<1x128xi32, #tpu.memory_space<vmem>>
    %dma_start3A_891 = tpu.memref_squeeze %dma_start3A_890 : memref<1x128xi32, #tpu.memory_space<vmem>> -> memref<128xi32, #tpu.memory_space<vmem>>
    %dma_start3A_892 = arith.constant 0 : i32
    %dma_start3A_893 = tpu.memref_slice %arg6[%dma_start3A_892] : memref<100000000xf32, #tpu.memory_space<hbm>> -> memref<100000000xf32, #tpu.memory_space<hbm>>
    tpu.enqueue_indirect_dma source(%dma_start3A_893 : memref<100000000xf32, #tpu.memory_space<hbm>>) target(%dma_start3A_888 : memref<128xf32, #tpu.memory_space<vmem>>) offsets(%dma_start3A_891 : memref<128xi32, #tpu.memory_space<vmem>>) semaphore(%arg17 : memref<!tpu.dma_semaphore, #tpu.memory_space<semaphore_mem>>)
    %dma_start3A_894 = arith.constant 49 : i32
    %dma_start3A_895 = arith.constant 49 : i32
    %dma_start3A_896 = arith.constant 0 : i32
    %dma_start3A_897 = tpu.memref_slice %arg14[%dma_start3A_895, %dma_start3A_896] : memref<50x128xf32, #tpu.memory_space<vmem>> -> memref<1x128xf32, #tpu.memory_space<vmem>>
    %dma_start3A_898 = tpu.memref_squeeze %dma_start3A_897 : memref<1x128xf32, #tpu.memory_space<vmem>> -> memref<128xf32, #tpu.memory_space<vmem>>
    %dma_start3A_899 = arith.constant 0 : i32
    %dma_start3A_900 = tpu.memref_slice %arg12[%dma_start3A_894, %dma_start3A_899] : memref<50x128xi32, #tpu.memory_space<vmem>> -> memref<1x128xi32, #tpu.memory_space<vmem>>
    %dma_start3A_901 = tpu.memref_squeeze %dma_start3A_900 : memref<1x128xi32, #tpu.memory_space<vmem>> -> memref<128xi32, #tpu.memory_space<vmem>>
    %dma_start3A_902 = arith.constant 0 : i32
    %dma_start3A_903 = tpu.memref_slice %arg6[%dma_start3A_902] : memref<100000000xf32, #tpu.memory_space<hbm>> -> memref<100000000xf32, #tpu.memory_space<hbm>>
    tpu.enqueue_indirect_dma source(%dma_start3A_903 : memref<100000000xf32, #tpu.memory_space<hbm>>) target(%dma_start3A_898 : memref<128xf32, #tpu.memory_space<vmem>>) offsets(%dma_start3A_901 : memref<128xi32, #tpu.memory_space<vmem>>) semaphore(%arg17 : memref<!tpu.dma_semaphore, #tpu.memory_space<semaphore_mem>>)
    %dma_wait3A_904 = arith.constant 40 : i32
    %dma_wait3A_905 = arith.constant 40 : i32
    %dma_wait3A_906 = arith.constant 0 : i32
    %dma_wait3A_907 = tpu.memref_slice %arg14[%dma_wait3A_905, %dma_wait3A_906] : memref<50x128xf32, #tpu.memory_space<vmem>> -> memref<1x128xf32, #tpu.memory_space<vmem>>
    %dma_wait3A_908 = tpu.memref_squeeze %dma_wait3A_907 : memref<1x128xf32, #tpu.memory_space<vmem>> -> memref<128xf32, #tpu.memory_space<vmem>>
    %dma_wait3A_909 = arith.constant 0 : i32
    %dma_wait3A_910 = tpu.memref_slice %arg12[%dma_wait3A_904, %dma_wait3A_909] : memref<50x128xi32, #tpu.memory_space<vmem>> -> memref<1x128xi32, #tpu.memory_space<vmem>>
    %dma_wait3A_911 = tpu.memref_squeeze %dma_wait3A_910 : memref<1x128xi32, #tpu.memory_space<vmem>> -> memref<128xi32, #tpu.memory_space<vmem>>
    %dma_wait3A_912 = arith.constant 0 : i32
    %dma_wait3A_913 = tpu.memref_slice %arg6[%dma_wait3A_912] : memref<100000000xf32, #tpu.memory_space<hbm>> -> memref<100000000xf32, #tpu.memory_space<hbm>>
    tpu.wait_indirect_dma semaphore(%arg17 : memref<!tpu.dma_semaphore, #tpu.memory_space<semaphore_mem>>) src(%dma_wait3A_913 : memref<100000000xf32, #tpu.memory_space<hbm>>) dst(%dma_wait3A_908 : memref<128xf32, #tpu.memory_space<vmem>>)
    %dma_wait3A_914 = arith.constant 41 : i32
    %dma_wait3A_915 = arith.constant 41 : i32
    %dma_wait3A_916 = arith.constant 0 : i32
    %dma_wait3A_917 = tpu.memref_slice %arg14[%dma_wait3A_915, %dma_wait3A_916] : memref<50x128xf32, #tpu.memory_space<vmem>> -> memref<1x128xf32, #tpu.memory_space<vmem>>
    %dma_wait3A_918 = tpu.memref_squeeze %dma_wait3A_917 : memref<1x128xf32, #tpu.memory_space<vmem>> -> memref<128xf32, #tpu.memory_space<vmem>>
    %dma_wait3A_919 = arith.constant 0 : i32
    %dma_wait3A_920 = tpu.memref_slice %arg12[%dma_wait3A_914, %dma_wait3A_919] : memref<50x128xi32, #tpu.memory_space<vmem>> -> memref<1x128xi32, #tpu.memory_space<vmem>>
    %dma_wait3A_921 = tpu.memref_squeeze %dma_wait3A_920 : memref<1x128xi32, #tpu.memory_space<vmem>> -> memref<128xi32, #tpu.memory_space<vmem>>
    %dma_wait3A_922 = arith.constant 0 : i32
    %dma_wait3A_923 = tpu.memref_slice %arg6[%dma_wait3A_922] : memref<100000000xf32, #tpu.memory_space<hbm>> -> memref<100000000xf32, #tpu.memory_space<hbm>>
    tpu.wait_indirect_dma semaphore(%arg17 : memref<!tpu.dma_semaphore, #tpu.memory_space<semaphore_mem>>) src(%dma_wait3A_923 : memref<100000000xf32, #tpu.memory_space<hbm>>) dst(%dma_wait3A_918 : memref<128xf32, #tpu.memory_space<vmem>>)
    %dma_wait3A_924 = arith.constant 42 : i32
    %dma_wait3A_925 = arith.constant 42 : i32
    %dma_wait3A_926 = arith.constant 0 : i32
    %dma_wait3A_927 = tpu.memref_slice %arg14[%dma_wait3A_925, %dma_wait3A_926] : memref<50x128xf32, #tpu.memory_space<vmem>> -> memref<1x128xf32, #tpu.memory_space<vmem>>
    %dma_wait3A_928 = tpu.memref_squeeze %dma_wait3A_927 : memref<1x128xf32, #tpu.memory_space<vmem>> -> memref<128xf32, #tpu.memory_space<vmem>>
    %dma_wait3A_929 = arith.constant 0 : i32
    %dma_wait3A_930 = tpu.memref_slice %arg12[%dma_wait3A_924, %dma_wait3A_929] : memref<50x128xi32, #tpu.memory_space<vmem>> -> memref<1x128xi32, #tpu.memory_space<vmem>>
    %dma_wait3A_931 = tpu.memref_squeeze %dma_wait3A_930 : memref<1x128xi32, #tpu.memory_space<vmem>> -> memref<128xi32, #tpu.memory_space<vmem>>
    %dma_wait3A_932 = arith.constant 0 : i32
    %dma_wait3A_933 = tpu.memref_slice %arg6[%dma_wait3A_932] : memref<100000000xf32, #tpu.memory_space<hbm>> -> memref<100000000xf32, #tpu.memory_space<hbm>>
    tpu.wait_indirect_dma semaphore(%arg17 : memref<!tpu.dma_semaphore, #tpu.memory_space<semaphore_mem>>) src(%dma_wait3A_933 : memref<100000000xf32, #tpu.memory_space<hbm>>) dst(%dma_wait3A_928 : memref<128xf32, #tpu.memory_space<vmem>>)
    %dma_wait3A_934 = arith.constant 43 : i32
    %dma_wait3A_935 = arith.constant 43 : i32
    %dma_wait3A_936 = arith.constant 0 : i32
    %dma_wait3A_937 = tpu.memref_slice %arg14[%dma_wait3A_935, %dma_wait3A_936] : memref<50x128xf32, #tpu.memory_space<vmem>> -> memref<1x128xf32, #tpu.memory_space<vmem>>
    %dma_wait3A_938 = tpu.memref_squeeze %dma_wait3A_937 : memref<1x128xf32, #tpu.memory_space<vmem>> -> memref<128xf32, #tpu.memory_space<vmem>>
    %dma_wait3A_939 = arith.constant 0 : i32
    %dma_wait3A_940 = tpu.memref_slice %arg12[%dma_wait3A_934, %dma_wait3A_939] : memref<50x128xi32, #tpu.memory_space<vmem>> -> memref<1x128xi32, #tpu.memory_space<vmem>>
    %dma_wait3A_941 = tpu.memref_squeeze %dma_wait3A_940 : memref<1x128xi32, #tpu.memory_space<vmem>> -> memref<128xi32, #tpu.memory_space<vmem>>
    %dma_wait3A_942 = arith.constant 0 : i32
    %dma_wait3A_943 = tpu.memref_slice %arg6[%dma_wait3A_942] : memref<100000000xf32, #tpu.memory_space<hbm>> -> memref<100000000xf32, #tpu.memory_space<hbm>>
    tpu.wait_indirect_dma semaphore(%arg17 : memref<!tpu.dma_semaphore, #tpu.memory_space<semaphore_mem>>) src(%dma_wait3A_943 : memref<100000000xf32, #tpu.memory_space<hbm>>) dst(%dma_wait3A_938 : memref<128xf32, #tpu.memory_space<vmem>>)
    %dma_wait3A_944 = arith.constant 44 : i32
    %dma_wait3A_945 = arith.constant 44 : i32
    %dma_wait3A_946 = arith.constant 0 : i32
    %dma_wait3A_947 = tpu.memref_slice %arg14[%dma_wait3A_945, %dma_wait3A_946] : memref<50x128xf32, #tpu.memory_space<vmem>> -> memref<1x128xf32, #tpu.memory_space<vmem>>
    %dma_wait3A_948 = tpu.memref_squeeze %dma_wait3A_947 : memref<1x128xf32, #tpu.memory_space<vmem>> -> memref<128xf32, #tpu.memory_space<vmem>>
    %dma_wait3A_949 = arith.constant 0 : i32
    %dma_wait3A_950 = tpu.memref_slice %arg12[%dma_wait3A_944, %dma_wait3A_949] : memref<50x128xi32, #tpu.memory_space<vmem>> -> memref<1x128xi32, #tpu.memory_space<vmem>>
    %dma_wait3A_951 = tpu.memref_squeeze %dma_wait3A_950 : memref<1x128xi32, #tpu.memory_space<vmem>> -> memref<128xi32, #tpu.memory_space<vmem>>
    %dma_wait3A_952 = arith.constant 0 : i32
    %dma_wait3A_953 = tpu.memref_slice %arg6[%dma_wait3A_952] : memref<100000000xf32, #tpu.memory_space<hbm>> -> memref<100000000xf32, #tpu.memory_space<hbm>>
    tpu.wait_indirect_dma semaphore(%arg17 : memref<!tpu.dma_semaphore, #tpu.memory_space<semaphore_mem>>) src(%dma_wait3A_953 : memref<100000000xf32, #tpu.memory_space<hbm>>) dst(%dma_wait3A_948 : memref<128xf32, #tpu.memory_space<vmem>>)
    %dma_wait3A_954 = arith.constant 45 : i32
    %dma_wait3A_955 = arith.constant 45 : i32
    %dma_wait3A_956 = arith.constant 0 : i32
    %dma_wait3A_957 = tpu.memref_slice %arg14[%dma_wait3A_955, %dma_wait3A_956] : memref<50x128xf32, #tpu.memory_space<vmem>> -> memref<1x128xf32, #tpu.memory_space<vmem>>
    %dma_wait3A_958 = tpu.memref_squeeze %dma_wait3A_957 : memref<1x128xf32, #tpu.memory_space<vmem>> -> memref<128xf32, #tpu.memory_space<vmem>>
    %dma_wait3A_959 = arith.constant 0 : i32
    %dma_wait3A_960 = tpu.memref_slice %arg12[%dma_wait3A_954, %dma_wait3A_959] : memref<50x128xi32, #tpu.memory_space<vmem>> -> memref<1x128xi32, #tpu.memory_space<vmem>>
    %dma_wait3A_961 = tpu.memref_squeeze %dma_wait3A_960 : memref<1x128xi32, #tpu.memory_space<vmem>> -> memref<128xi32, #tpu.memory_space<vmem>>
    %dma_wait3A_962 = arith.constant 0 : i32
    %dma_wait3A_963 = tpu.memref_slice %arg6[%dma_wait3A_962] : memref<100000000xf32, #tpu.memory_space<hbm>> -> memref<100000000xf32, #tpu.memory_space<hbm>>
    tpu.wait_indirect_dma semaphore(%arg17 : memref<!tpu.dma_semaphore, #tpu.memory_space<semaphore_mem>>) src(%dma_wait3A_963 : memref<100000000xf32, #tpu.memory_space<hbm>>) dst(%dma_wait3A_958 : memref<128xf32, #tpu.memory_space<vmem>>)
    %dma_wait3A_964 = arith.constant 46 : i32
    %dma_wait3A_965 = arith.constant 46 : i32
    %dma_wait3A_966 = arith.constant 0 : i32
    %dma_wait3A_967 = tpu.memref_slice %arg14[%dma_wait3A_965, %dma_wait3A_966] : memref<50x128xf32, #tpu.memory_space<vmem>> -> memref<1x128xf32, #tpu.memory_space<vmem>>
    %dma_wait3A_968 = tpu.memref_squeeze %dma_wait3A_967 : memref<1x128xf32, #tpu.memory_space<vmem>> -> memref<128xf32, #tpu.memory_space<vmem>>
    %dma_wait3A_969 = arith.constant 0 : i32
    %dma_wait3A_970 = tpu.memref_slice %arg12[%dma_wait3A_964, %dma_wait3A_969] : memref<50x128xi32, #tpu.memory_space<vmem>> -> memref<1x128xi32, #tpu.memory_space<vmem>>
    %dma_wait3A_971 = tpu.memref_squeeze %dma_wait3A_970 : memref<1x128xi32, #tpu.memory_space<vmem>> -> memref<128xi32, #tpu.memory_space<vmem>>
    %dma_wait3A_972 = arith.constant 0 : i32
    %dma_wait3A_973 = tpu.memref_slice %arg6[%dma_wait3A_972] : memref<100000000xf32, #tpu.memory_space<hbm>> -> memref<100000000xf32, #tpu.memory_space<hbm>>
    tpu.wait_indirect_dma semaphore(%arg17 : memref<!tpu.dma_semaphore, #tpu.memory_space<semaphore_mem>>) src(%dma_wait3A_973 : memref<100000000xf32, #tpu.memory_space<hbm>>) dst(%dma_wait3A_968 : memref<128xf32, #tpu.memory_space<vmem>>)
    %dma_wait3A_974 = arith.constant 47 : i32
    %dma_wait3A_975 = arith.constant 47 : i32
    %dma_wait3A_976 = arith.constant 0 : i32
    %dma_wait3A_977 = tpu.memref_slice %arg14[%dma_wait3A_975, %dma_wait3A_976] : memref<50x128xf32, #tpu.memory_space<vmem>> -> memref<1x128xf32, #tpu.memory_space<vmem>>
    %dma_wait3A_978 = tpu.memref_squeeze %dma_wait3A_977 : memref<1x128xf32, #tpu.memory_space<vmem>> -> memref<128xf32, #tpu.memory_space<vmem>>
    %dma_wait3A_979 = arith.constant 0 : i32
    %dma_wait3A_980 = tpu.memref_slice %arg12[%dma_wait3A_974, %dma_wait3A_979] : memref<50x128xi32, #tpu.memory_space<vmem>> -> memref<1x128xi32, #tpu.memory_space<vmem>>
    %dma_wait3A_981 = tpu.memref_squeeze %dma_wait3A_980 : memref<1x128xi32, #tpu.memory_space<vmem>> -> memref<128xi32, #tpu.memory_space<vmem>>
    %dma_wait3A_982 = arith.constant 0 : i32
    %dma_wait3A_983 = tpu.memref_slice %arg6[%dma_wait3A_982] : memref<100000000xf32, #tpu.memory_space<hbm>> -> memref<100000000xf32, #tpu.memory_space<hbm>>
    tpu.wait_indirect_dma semaphore(%arg17 : memref<!tpu.dma_semaphore, #tpu.memory_space<semaphore_mem>>) src(%dma_wait3A_983 : memref<100000000xf32, #tpu.memory_space<hbm>>) dst(%dma_wait3A_978 : memref<128xf32, #tpu.memory_space<vmem>>)
    %dma_wait3A_984 = arith.constant 48 : i32
    %dma_wait3A_985 = arith.constant 48 : i32
    %dma_wait3A_986 = arith.constant 0 : i32
    %dma_wait3A_987 = tpu.memref_slice %arg14[%dma_wait3A_985, %dma_wait3A_986] : memref<50x128xf32, #tpu.memory_space<vmem>> -> memref<1x128xf32, #tpu.memory_space<vmem>>
    %dma_wait3A_988 = tpu.memref_squeeze %dma_wait3A_987 : memref<1x128xf32, #tpu.memory_space<vmem>> -> memref<128xf32, #tpu.memory_space<vmem>>
    %dma_wait3A_989 = arith.constant 0 : i32
    %dma_wait3A_990 = tpu.memref_slice %arg12[%dma_wait3A_984, %dma_wait3A_989] : memref<50x128xi32, #tpu.memory_space<vmem>> -> memref<1x128xi32, #tpu.memory_space<vmem>>
    %dma_wait3A_991 = tpu.memref_squeeze %dma_wait3A_990 : memref<1x128xi32, #tpu.memory_space<vmem>> -> memref<128xi32, #tpu.memory_space<vmem>>
    %dma_wait3A_992 = arith.constant 0 : i32
    %dma_wait3A_993 = tpu.memref_slice %arg6[%dma_wait3A_992] : memref<100000000xf32, #tpu.memory_space<hbm>> -> memref<100000000xf32, #tpu.memory_space<hbm>>
    tpu.wait_indirect_dma semaphore(%arg17 : memref<!tpu.dma_semaphore, #tpu.memory_space<semaphore_mem>>) src(%dma_wait3A_993 : memref<100000000xf32, #tpu.memory_space<hbm>>) dst(%dma_wait3A_988 : memref<128xf32, #tpu.memory_space<vmem>>)
    %dma_wait3A_994 = arith.constant 49 : i32
    %dma_wait3A_995 = arith.constant 49 : i32
    %dma_wait3A_996 = arith.constant 0 : i32
    %dma_wait3A_997 = tpu.memref_slice %arg14[%dma_wait3A_995, %dma_wait3A_996] : memref<50x128xf32, #tpu.memory_space<vmem>> -> memref<1x128xf32, #tpu.memory_space<vmem>>
    %dma_wait3A_998 = tpu.memref_squeeze %dma_wait3A_997 : memref<1x128xf32, #tpu.memory_space<vmem>> -> memref<128xf32, #tpu.memory_space<vmem>>
    %dma_wait3A_999 = arith.constant 0 : i32
    %dma_wait3A_1000 = tpu.memref_slice %arg12[%dma_wait3A_994, %dma_wait3A_999] : memref<50x128xi32, #tpu.memory_space<vmem>> -> memref<1x128xi32, #tpu.memory_space<vmem>>
    %dma_wait3A_1001 = tpu.memref_squeeze %dma_wait3A_1000 : memref<1x128xi32, #tpu.memory_space<vmem>> -> memref<128xi32, #tpu.memory_space<vmem>>
    %dma_wait3A_1002 = arith.constant 0 : i32
    %dma_wait3A_1003 = tpu.memref_slice %arg6[%dma_wait3A_1002] : memref<100000000xf32, #tpu.memory_space<hbm>> -> memref<100000000xf32, #tpu.memory_space<hbm>>
    tpu.wait_indirect_dma semaphore(%arg17 : memref<!tpu.dma_semaphore, #tpu.memory_space<semaphore_mem>>) src(%dma_wait3A_1003 : memref<100000000xf32, #tpu.memory_space<hbm>>) dst(%dma_wait3A_998 : memref<128xf32, #tpu.memory_space<vmem>>)
    %dma_wait3A_1004 = arith.constant 0 : i32
    %dma_wait3A_1005 = arith.constant 0 : i32
    %dma_wait3A_1006 = tpu.memref_slice %arg5[%dma_wait3A_1004, %dma_wait3A_1005] : memref<100000x64xf32, #tpu.memory_space<hbm>> -> memref<100000x64xf32, #tpu.memory_space<hbm>>
    tpu.wait_indirect_dma semaphore(%arg18 : memref<!tpu.dma_semaphore, #tpu.memory_space<semaphore_mem>>) src(%dma_wait3A_1006 : memref<100000x64xf32, #tpu.memory_space<hbm>>) dst(%arg11 : memref<128x64xf32, #tpu.memory_space<vmem>>)
    "tpu.region"() ({
      %run_scoped3A = tpu.sem_alloc : memref<!tpu.dma_semaphore, #tpu.memory_space<semaphore_mem>>
      %dma_start3A_1012 = arith.constant 0 : i32
      %dma_start3A_1013 = tpu.memref_slice %arg8[%mul3A_2, %dma_start3A_1012] : memref<4096x64xf32, #tpu.memory_space<hbm>> -> memref<128x64xf32, #tpu.memory_space<hbm>>
      %dma_start3A_1014 = arith.constant 0 : i32
      %dma_start3A_1015 = tpu.memref_slice %arg8[%mul3A_2, %dma_start3A_1014] : memref<4096x64xf32, #tpu.memory_space<hbm>> -> memref<128x64xf32, #tpu.memory_space<hbm>>
      tpu.enqueue_dma source(%arg11 : memref<128x64xf32, #tpu.memory_space<vmem>>) target(%dma_start3A_1015 : memref<128x64xf32, #tpu.memory_space<hbm>>) target_semaphore(%run_scoped3A : memref<!tpu.dma_semaphore, #tpu.memory_space<semaphore_mem>>)
      %dma_wait3A_1016 = arith.constant 0 : i32
      %dma_wait3A_1017 = tpu.memref_slice %arg8[%mul3A_2, %dma_wait3A_1016] : memref<4096x64xf32, #tpu.memory_space<hbm>> -> memref<128x64xf32, #tpu.memory_space<hbm>>
      %dma_wait3A_1018 = arith.constant 0 : i32
      %dma_wait3A_1019 = tpu.memref_slice %arg8[%mul3A_2, %dma_wait3A_1018] : memref<4096x64xf32, #tpu.memory_space<hbm>> -> memref<128x64xf32, #tpu.memory_space<hbm>>
      tpu.wait_dma2 semaphore(%run_scoped3A : memref<!tpu.dma_semaphore, #tpu.memory_space<semaphore_mem>>) src(%arg11 : memref<128x64xf32, #tpu.memory_space<vmem>>) dst(%dma_wait3A_1019 : memref<128x64xf32, #tpu.memory_space<hbm>>)
      tpu.yield
    }) : () -> ()
    %scan3A = arith.constant 0 : i32
    %scan3A_1007 = arith.constant 0 : i32
    %scan3A_1008 = arith.constant 400 : i32
    %scan3A_1009 = arith.addi %scan3A_1007, %scan3A_1008 : i32
    %scan3A_1010 = arith.constant 1 : i32
    scf.for %scan3A_1012 = %scan3A_1007 to %scan3A_1009 step %scan3A_1010  : i32 {
      %jit3A = arith.constant 8 : i32
      %div3A = arith.divsi %scan3A_1012, %jit3A : i32
      %sign3A = arith.constant 0 : i32
      %sign3A_1013 = arith.cmpi sgt, %scan3A_1012, %sign3A : i32
      %sign3A_1014 = arith.extui %sign3A_1013 : i1 to i32
      %sign3A_1015 = arith.constant 0 : i32
      %sign3A_1016 = arith.cmpi slt, %scan3A_1012, %sign3A_1015 : i32
      %sign3A_1017 = arith.extui %sign3A_1016 : i1 to i32
      %sign3A_1018 = arith.subi %sign3A_1014, %sign3A_1017 : i32
      %sign3A_1019 = arith.constant 0 : i32
      %sign3A_1020 = arith.cmpi sgt, %jit3A, %sign3A_1019 : i32
      %sign3A_1021 = arith.extui %sign3A_1020 : i1 to i32
      %sign3A_1022 = arith.constant 0 : i32
      %sign3A_1023 = arith.cmpi slt, %jit3A, %sign3A_1022 : i32
      %sign3A_1024 = arith.extui %sign3A_1023 : i1 to i32
      %sign3A_1025 = arith.subi %sign3A_1021, %sign3A_1024 : i32
      %ne3A = arith.cmpi ne, %sign3A_1018, %sign3A_1025 : i32
      %rem3A = arith.remsi %scan3A_1012, %jit3A : i32
      %ne3A_1026 = arith.constant 0 : i32
      %ne3A_1027 = arith.cmpi ne, %rem3A, %ne3A_1026 : i32
      %and3A = arith.andi %ne3A, %ne3A_1027 : i1
      %sub3A = arith.constant 1 : i32
      %sub3A_1028 = arith.subi %div3A, %sub3A : i32
      %select_n3A = arith.select %and3A, %sub3A_1028, %div3A : i32
      %jit3A_1029 = arith.constant 8 : i32
      %eq3A = arith.constant 0 : i32
      %eq3A_1030 = arith.cmpi eq, %jit3A_1029, %eq3A : i32
      %jit3A_1031 = arith.constant 1 : i32
      %select_n3A_1032 = arith.select %eq3A_1030, %jit3A_1031, %jit3A_1029 : i32
      %rem3A_1033 = arith.remsi %scan3A_1012, %select_n3A_1032 : i32
      %ne3A_1034 = arith.constant 0 : i32
      %ne3A_1035 = arith.cmpi ne, %rem3A_1033, %ne3A_1034 : i32
      %lt3A = arith.constant 0 : i32
      %lt3A_1036 = arith.cmpi slt, %rem3A_1033, %lt3A : i32
      %lt3A_1037 = arith.constant 0 : i32
      %lt3A_1038 = arith.cmpi slt, %select_n3A_1032, %lt3A_1037 : i32
      %ne3A_1039 = arith.xori %lt3A_1036, %lt3A_1038 : i1
      %and3A_1040 = arith.andi %ne3A_1039, %ne3A_1035 : i1
      %add3A_1041 = arith.addi %rem3A_1033, %select_n3A_1032 : i32
      %select_n3A_1042 = arith.select %and3A_1040, %add3A_1041, %rem3A_1033 : i32
      %mul3A_1043 = arith.constant 16 : i32
      %mul3A_1044 = arith.muli %select_n3A_1042, %mul3A_1043 : i32
      %get3A = arith.index_cast %select_n3A : i32 to index
      %get3A_1045 = arith.index_cast %mul3A_1044 : i32 to index
      %get3A_1046 = tpu.vector_load %arg13[%get3A, %get3A_1045] {strides = array<i32>} : memref<50x128xi32, #tpu.memory_space<vmem>>, vector<16xi32>,
      %gather3A = tpu.vector_load_idx %arg16[%get3A_1046] : memref<1000xf32, #tpu.memory_space<vmem>>[vector<16xi32>], vector<16xf32>,
      %mul3A_1047 = arith.constant 16 : i32
      %mul3A_1048 = arith.muli %select_n3A_1042, %mul3A_1047 : i32
      %get3A_1049 = arith.index_cast %select_n3A : i32 to index
      %get3A_1050 = arith.index_cast %mul3A_1048 : i32 to index
      %get3A_1051 = tpu.vector_load %arg14[%get3A_1049, %get3A_1050] {strides = array<i32>} : memref<50x128xf32, #tpu.memory_space<vmem>>, vector<16xf32>,
      %add3A_1052 = arith.addf %get3A_1051, %gather3A : vector<16xf32>
      %mul3A_1053 = arith.constant 16 : i32
      %mul3A_1054 = arith.muli %select_n3A_1042, %mul3A_1053 : i32
      %swap3A = arith.index_cast %select_n3A : i32 to index
      %swap3A_1055 = arith.index_cast %mul3A_1054 : i32 to index
      %swap3A_1056 = tpu.vector_load %arg15[%swap3A, %swap3A_1055] {strides = array<i32>} : memref<50x128xf32, #tpu.memory_space<vmem>>, vector<16xf32>,
      tpu.vector_store %arg15[%swap3A, %swap3A_1055], %add3A_1052 {strides = array<i32>} : memref<50x128xf32, #tpu.memory_space<vmem>>, vector<16xf32>,
    }
    %scan3A_1011 = arith.constant 400 : i32
    "tpu.region"() ({
      %run_scoped3A = tpu.sem_alloc : memref<!tpu.dma_semaphore, #tpu.memory_space<semaphore_mem>>
      %dma_start3A_1012 = arith.constant 0 : i32
      %dma_start3A_1013 = tpu.memref_slice %arg9[%dma_start3A_1012, %mul3A_2] : memref<50x4096xf32, #tpu.memory_space<hbm>> -> memref<50x128xf32, #tpu.memory_space<hbm>>
      %dma_start3A_1014 = arith.constant 0 : i32
      %dma_start3A_1015 = tpu.memref_slice %arg9[%dma_start3A_1014, %mul3A_2] : memref<50x4096xf32, #tpu.memory_space<hbm>> -> memref<50x128xf32, #tpu.memory_space<hbm>>
      tpu.enqueue_dma source(%arg15 : memref<50x128xf32, #tpu.memory_space<vmem>>) target(%dma_start3A_1015 : memref<50x128xf32, #tpu.memory_space<hbm>>) target_semaphore(%run_scoped3A : memref<!tpu.dma_semaphore, #tpu.memory_space<semaphore_mem>>)
      %dma_wait3A_1016 = arith.constant 0 : i32
      %dma_wait3A_1017 = tpu.memref_slice %arg9[%dma_wait3A_1016, %mul3A_2] : memref<50x4096xf32, #tpu.memory_space<hbm>> -> memref<50x128xf32, #tpu.memory_space<hbm>>
      %dma_wait3A_1018 = arith.constant 0 : i32
      %dma_wait3A_1019 = tpu.memref_slice %arg9[%dma_wait3A_1018, %mul3A_2] : memref<50x4096xf32, #tpu.memory_space<hbm>> -> memref<50x128xf32, #tpu.memory_space<hbm>>
      tpu.wait_dma2 semaphore(%run_scoped3A : memref<!tpu.dma_semaphore, #tpu.memory_space<semaphore_mem>>) src(%arg15 : memref<50x128xf32, #tpu.memory_space<vmem>>) dst(%dma_wait3A_1019 : memref<50x128xf32, #tpu.memory_space<hbm>>)
      tpu.yield
    }) : () -> ()
    return
  }
}

module attributes {stable_mosaic.version = 14 : i64} {
  func.func @_tc_body(%arg0: i32, %arg1: memref<50x64x512xf32, #tpu.memory_space<vmem>>, %arg2: memref<64x512xf32, #tpu.memory_space<vmem>>, %arg3: memref<50x512xf32, #tpu.memory_space<vmem>>, %arg4: memref<1x512xi32, #tpu.memory_space<vmem>>, %arg5: memref<50x512xf32, #tpu.memory_space<vmem>>) attributes {dimension_semantics = [#tpu.dimension_semantics<arbitrary>], iteration_bounds = array<i64: 8>, scalar_prefetch = 0 : i64, scratch_operands = 0 : i64, tpu.core_type = #tpu.core_type<tc>, window_params = [{transform_indices = @transform_0, window_bounds = array<i64: 50, 64, 512>}, {transform_indices = @transform_1, window_bounds = array<i64: 64, 512>}, {transform_indices = @transform_2, window_bounds = array<i64: 50, 512>}, {transform_indices = @transform_3, window_bounds = array<i64: 1, 512>}, {transform_indices = @transform_4, window_bounds = array<i64: 50, 512>}]} {
    %get3A = arith.constant 0 : index
    %get3A_0 = arith.constant 0 : index
    %get3A_1 = vector.load %arg2[%get3A, %get3A_0] : memref<64x512xf32, #tpu.memory_space<vmem>>, vector<64x512xf32>
    %get3A_2 = arith.constant 0 : index
    %get3A_3 = arith.constant 0 : index
    %get3A_4 = arith.constant 0 : index
    %get3A_5 = vector.load %arg1[%get3A_2, %get3A_3, %get3A_4] : memref<50x64x512xf32, #tpu.memory_space<vmem>>, vector<50x64x512xf32>
    %broadcast_in_dim3A = vector.shape_cast %get3A_1 : vector<64x512xf32> to vector<1x64x512xf32>
    %mul3A = vector.broadcast %broadcast_in_dim3A : vector<1x64x512xf32> to vector<50x64x512xf32>
    %mul3A_6 = arith.mulf %get3A_5, %mul3A : vector<50x64x512xf32>
    %reduce_sum3A = arith.constant dense<0.000000e+00> : vector<50x512xf32>
    %reduce_sum3A_7 = vector.multi_reduction <add>, %mul3A_6, %reduce_sum3A [1] : vector<50x64x512xf32> to vector<50x512xf32>
    %get3A_8 = arith.constant 0 : index
    %get3A_9 = arith.constant 0 : index
    %get3A_10 = vector.load %arg3[%get3A_8, %get3A_9] : memref<50x512xf32, #tpu.memory_space<vmem>>, vector<50x512xf32>
    %add3A = arith.addf %reduce_sum3A_7, %get3A_10 : vector<50x512xf32>
    %iota3A = tpu.iota {dimensions = array<i32: 0>} : vector<50x512xi32>
    %get3A_11 = arith.constant 0 : index
    %get3A_12 = arith.constant 0 : index
    %get3A_13 = vector.load %arg4[%get3A_11, %get3A_12] : memref<1x512xi32, #tpu.memory_space<vmem>>, vector<1x512xi32>
    %ge3A = vector.broadcast %get3A_13 : vector<1x512xi32> to vector<50x512xi32>
    %ge3A_14 = arith.cmpi sge, %iota3A, %ge3A : vector<50x512xi32>
    %jit3A = arith.constant 0xFF800000 : f32
    %broadcast_in_dim3A_15 = vector.broadcast %jit3A : f32 to vector<50x512xf32>
    %select_n3A = arith.select %ge3A_14, %broadcast_in_dim3A_15, %add3A : vector<50x512xi1>, vector<50x512xf32>
    %reduce_max3A = arith.constant dense<0xFF800000> : vector<512xf32>
    %reduce_max3A_16 = vector.multi_reduction <maximumf>, %select_n3A, %reduce_max3A [0] : vector<50x512xf32> to vector<512xf32>
    %broadcast_in_dim3A_17 = vector.shape_cast %reduce_max3A_16 : vector<512xf32> to vector<1x512xf32>
    %sub3A = vector.broadcast %broadcast_in_dim3A_17 : vector<1x512xf32> to vector<50x512xf32>
    %sub3A_18 = arith.subf %select_n3A, %sub3A : vector<50x512xf32>
    %exp3A = math.exp %sub3A_18 : vector<50x512xf32>
    %sub3A_19 = vector.broadcast %broadcast_in_dim3A_17 : vector<1x512xf32> to vector<50x512xf32>
    %sub3A_20 = arith.subf %select_n3A, %sub3A_19 : vector<50x512xf32>
    %reduce_sum3A_21 = arith.constant dense<0.000000e+00> : vector<512xf32>
    %reduce_sum3A_22 = vector.multi_reduction <add>, %exp3A, %reduce_sum3A_21 [0] : vector<50x512xf32> to vector<512xf32>
    %broadcast_in_dim3A_23 = vector.shape_cast %reduce_sum3A_22 : vector<512xf32> to vector<1x512xf32>
    %log3A = math.log %broadcast_in_dim3A_23 : vector<1x512xf32>
    %sub3A_24 = vector.broadcast %log3A : vector<1x512xf32> to vector<50x512xf32>
    %sub3A_25 = arith.subf %sub3A_20, %sub3A_24 : vector<50x512xf32>
    %swap3A = arith.constant 0 : index
    %swap3A_26 = arith.constant 0 : index
    %swap3A_27 = vector.load %arg5[%swap3A, %swap3A_26] : memref<50x512xf32, #tpu.memory_space<vmem>>, vector<50x512xf32>
    tpu.vector_store %arg5[%swap3A, %swap3A_26], %sub3A_25 {strides = array<i32>} : memref<50x512xf32, #tpu.memory_space<vmem>>, vector<50x512xf32>,
    return
  }
  func.func @transform_0(%arg0: i32) -> (i32, i32, i32) {
    %c0_i32 = arith.constant 0 : i32
    %c0_i32_0 = arith.constant 0 : i32
    %c0_i32_1 = arith.constant 0 : i32
    return %c0_i32, %c0_i32_0, %arg0 : i32, i32, i32
  }
  func.func @transform_1(%arg0: i32) -> (i32, i32) {
    %c0_i32 = arith.constant 0 : i32
    %c0_i32_0 = arith.constant 0 : i32
    return %c0_i32, %arg0 : i32, i32
  }
  func.func @transform_2(%arg0: i32) -> (i32, i32) {
    %c0_i32 = arith.constant 0 : i32
    %c0_i32_0 = arith.constant 0 : i32
    return %c0_i32, %arg0 : i32, i32
  }
  func.func @transform_3(%arg0: i32) -> (i32, i32) {
    %c0_i32 = arith.constant 0 : i32
    %c0_i32_0 = arith.constant 0 : i32
    return %c0_i32, %arg0 : i32, i32
  }
  func.func @transform_4(%arg0: i32) -> (i32, i32) {
    %c0_i32 = arith.constant 0 : i32
    %c0_i32_0 = arith.constant 0 : i32
    return %c0_i32, %arg0 : i32, i32
  }
}

</mosaic_0001>

<sc_bundles>
// kernel: kernel.4.cloned.1.call-start
scs
__scs_entry_jumppad:
0x0: {  	(pc) =	sbr.rel $0x88, $3  }
0x1: {  	(tag) =	ssettag $0x0;
	lr =	simm.s32 $0x1  }
0x2: {  	[smem:$0x3F99] =	sst lr;
	_ =	strace $0xD0000000  }
0x3: {  	_ = 	snop  }
0x4: {  	_ = 	snop  }
0x5: {  	_ = 	snop  }
0x6: {  	_ = 	snop  }
0x7: {  	_ = 	snop  }
__scs_overlays_trampoline_lowered:
0x8: {  	[smem:$0x3FA8] =	sst s0  }
0x9: {  	[smem:$0x3FA9] =	sst s1  }
0xa: {  	[smem:$0x3FAA] =	sst s2  }
0xb: {  	[smem:$0x3FAB] =	sst s3  }
0xc: {  	[smem:$0x3FAC] =	sst s4  }
0xd: {  	[smem:$0x3FAD] =	sst s5  }
0xe: {  	[smem:$0x3FAE] =	sst s6  }
0xf: {  	[smem:$0x3FAF] =	sst s7  }
0x10: {  	[smem:$0x3FB0] =	sst s8  }
0x11: {  	[smem:$0x3FB1] =	sst s9;
	s0 =	simm.s32 @!p0 $0x0  }
0x12: {  	s1 =	sld [smem:$0x3F97];
	s0 =	simm.s32 @p0 $0x1  }
0x13: {  	[smem:$0x3FB2] =	sst s0;
	s0 =	simm.s32 @!p1 $0x0  }
0x14: {  	s2 =	sld [smem:$0x3F96];
	s0 =	simm.s32 @p1 $0x1  }
0x15: {  	[smem:$0x3FB3] =	sst s0;
	s0 =	simm.s32 @!p2 $0x0  }
0x16: {  	s3 =	sld [smem:$0x3FDB];
	s0 =	simm.s32 @p2 $0x1  }
0x17: {  	s4 =	simm.s32 $0x1BF5;
	[smem:$0x3FB5] =	sst s0  }
0x18: {  	s0 =	sld [smem:$0x3F98];
	_ =	swait.ge [sflag:s4], $0x0  }
0x19: {  	s7 =	sld [smem:$0x3F99]  }
0x1a: {  	s8 =	sadd.s32 $0xFFFFE003, lr  }
0x1b: {  	s9 =	sadd.s32 $0xFFFFFEF7, lr;
	s5 =	simm.s32 $0xFFFFFFFF;
	p2 =	slt.u32 s8, $0xFFFFF086  }
0x1c: {  	p1 =	slt.u32 s9, $0xF7A;
	s5 =	simm.s32 @!p2 $0x0  }
0x1d: {  	s5 =	simm.s32 @p1 $0x1;
	p0 =	seq.s32 s7, s2  }
0x1e: {  	s7 =	smul.u32 @!p0 $0xF7A, s2;
	p2 =	seq.s32 @!p0 s5, $0x0  }
0x1f: {  	s9 =	smul.u32 $0xF7A, s1;
	s8 =	simm.s32 @!p0 $0x1BF5;
	p2 =	por !p2, p0  }
0x20: {  	[sflag:s8] =	ssyncset.s32 @!p0 $0xFFFFF086;
	s6 =	sadd.s32 @!p0 s3, s7;
	s7 =	simm.s32 @!p0 $0x108  }
0x21: {  	s3 =	sadd.s32 s3, s9;
	s6 =	sadd.s32 @!p0 $0x88, s6;
	s7 =	simm.s32 @p2 $0x1082  }
0x22: {  	[simem:s7], [sflag:s8] =	dma.local @!p0 [hbm:s6], $0xF7A  }
0x23: {  	s9 =	sor.u32 $0xD0000000, s2;
	s6 =	simm.s32 $0x108;
	_ =	swait.ge @!p0 [sflag:s8], $0x0  }
0x24: {  	s3 =	sadd.s32 $0x88, s3;
	s6 =	simm.s32 @!p1 $0x1082;
	[sflag:s4] =	ssyncset.s32 $0xFFFFF086  }
0x25: {  	[simem:s6], [sflag:s4] =	dma.local [hbm:s3], $0xF7A  }
0x26: {  	[smem:$0x3F99] =	sst s1;
	(tag) =	ssettag s2;
	_ =	strace s9  }
0x27: {  	s1 =	sld [smem:$0x3FA9]  }
0x28: {  	s2 =	sld [smem:$0x3FAA]  }
0x29: {  	s4 =	sld [smem:$0x3FAC]  }
0x2a: {  	p0 =	seq.s32 s5, $0x0;
	s5 =	sld [smem:$0x3FAD]  }
0x2b: {  	s6 =	sld [smem:$0x3FAE]  }
0x2c: {  	s7 =	sld [smem:$0x3FAF]  }
0x2d: {  	s3 =	simm.s32 $0x108;
	s8 =	sld [smem:$0x3FB0]  }
0x2e: {  	s3 =	simm.s32 @!p0 $0x1082;
	s9 =	sld [smem:$0x3FB1]  }
0x2f: {  	lr =	sadd.s32 s0, s3;
	s0 =	sld [smem:$0x3FA8]  }
0x30: {  	s3 =	sld [smem:$0x3FAB]  }
0x31: {  	[smem:$0x3FB4] =	sst s10  }
0x32: {  	s10 =	sld [smem:$0x3FB2];
	_ =	sdelay $0x3  }
0x33: {  	p0 =	seq.s32 s10, $0x1;
	s10 =	sld [smem:$0x3FB4];
	_ =	sdelay $0x3  }
0x34: {  	[smem:$0x3FB4] =	sst s10  }
0x35: {  	s10 =	sld [smem:$0x3FB3];
	_ =	sdelay $0x3  }
0x36: {  	p1 =	seq.s32 s10, $0x1;
	s10 =	sld [smem:$0x3FB4];
	_ =	sdelay $0x3  }
0x37: {  	[smem:$0x3FB4] =	sst s10  }
0x38: {  	s10 =	sld [smem:$0x3FB5]  }
0x39: {  	_ = 	snop;
	(pc) =	sbr.ind lr, $3  }
0x3a: {  	_ = 	snop  }
0x3b: {  	_ = 	snop  }
0x3c: {  	p2 =	seq.s32 s10, $0x1;
	s10 =	sld [smem:$0x3FB4]  }
0x3d: {  	_ =	shalt  }
0x3e: {  	_ =	shalt  }
0x3f: {  	_ =	shalt  }
0x40: {  	_ =	shalt  }
0x41: {  	_ =	shalt  }
0x42: {  	_ =	shalt  }
0x43: {  	_ =	shalt  }
0x44: {  	_ =	shalt  }
0x45: {  	_ =	shalt  }
0x46: {  	_ =	shalt  }
0x47: {  	_ =	shalt  }
0x48: {  	_ =	shalt  }
0x49: {  	_ =	shalt  }
0x4a: {  	_ =	shalt  }
0x4b: {  	_ =	shalt  }
0x4c: {  	_ =	shalt  }
0x4d: {  	_ =	shalt  }
0x4e: {  	_ =	shalt  }
0x4f: {  	_ =	shalt  }
0x50: {  	_ =	shalt  }
0x51: {  	_ =	shalt  }
0x52: {  	_ =	shalt  }
0x53: {  	_ =	shalt  }
0x54: {  	_ =	shalt  }
0x55: {  	_ =	shalt  }
0x56: {  	_ =	shalt  }
0x57: {  	_ =	shalt  }
0x58: {  	_ =	shalt  }
0x59: {  	_ =	shalt  }
0x5a: {  	_ =	shalt  }
0x5b: {  	_ =	shalt  }
0x5c: {  	_ =	shalt  }
0x5d: {  	_ =	shalt  }
0x5e: {  	_ =	shalt  }
0x5f: {  	_ =	shalt  }
0x60: {  	_ =	shalt  }
0x61: {  	_ =	shalt  }
0x62: {  	_ =	shalt  }
0x63: {  	_ =	shalt  }
0x64: {  	_ =	shalt  }
0x65: {  	_ =	shalt  }
0x66: {  	_ =	shalt  }
0x67: {  	_ =	shalt  }
0x68: {  	_ =	shalt  }
0x69: {  	_ =	shalt  }
0x6a: {  	_ =	shalt  }
0x6b: {  	_ =	shalt  }
0x6c: {  	_ =	shalt  }
0x6d: {  	_ =	shalt  }
0x6e: {  	_ =	shalt  }
0x6f: {  	_ =	shalt  }
0x70: {  	_ =	shalt  }
0x71: {  	_ =	shalt  }
0x72: {  	_ =	shalt  }
0x73: {  	_ =	shalt  }
0x74: {  	_ =	shalt  }
0x75: {  	_ =	shalt  }
0x76: {  	_ =	shalt  }
0x77: {  	_ =	shalt  }
0x78: {  	_ =	shalt  }
0x79: {  	_ =	shalt  }
0x7a: {  	_ =	shalt  }
0x7b: {  	_ =	shalt  }
0x7c: {  	_ =	shalt  }
0x7d: {  	_ =	shalt  }
0x7e: {  	_ =	shalt  }
0x7f: {  	_ =	shalt  }
0x80: {  	_ =	shalt  }
0x81: {  	_ =	shalt  }
0x82: {  	_ =	shalt  }
0x83: {  	_ =	shalt  }
0x84: {  	_ =	shalt  }
0x85: {  	_ =	shalt  }
0x86: {  	_ =	shalt  }
0x87: {  	_ =	shalt  }
.Lfunc_end0:
.L_simem_size_0:
called_computation_lowered:
.L_overlay_start_0:
0x88: {  	s2 =	sld [smem:$0x3FD9]  }
0x89: {  	s3 =	sld [smem:$0x3FFE];
	_ =	sdelay $0x1  }
0x8a: {  	s1 =	srdreg.scid  }
0x8b: {  	s0 =	sand.u32 $0x1, s1  }
0x8c: {  	s17 =	sshll.u32 s0, $0xA;
	s2 =	sadd.s32 s3, s2  }
0x8d: {  	s2 =	sadd.s32 s2, s17  }
0x8e: {  	[smem:$0x3FC0] =	sst s2  }
0x8f: {  	_ = 	snop  }
0x90: {  	s2 =	sld [smem:$0x3FC7]  }
0x91: {  	s18 =	sld [smem:$0x3FC2]  }
0x92: {  	s4 =	sld [smem:$0x3FD0];
	(tm) =	ssettm $0x1  }
0x93: {  	s5 =	sld [smem:$0x3FFB];
	_ =	sdelay $0x3  }
0x94: {  	_ =	strace s5  }
0x95: {  	s5 =	sld [smem:$0x3FFC];
	_ =	sdelay $0x3  }
0x96: {  	_ =	strace s5  }
0x97: {  	s5 =	sld [smem:$0x3FFD];
	_ =	sdelay $0x3  }
0x98: {  	_ =	strace s5  }
0x99: {  	_ =	strace $0x8FFFFFFF  }
0x9a: {  	s19 =	sld [smem:$0x3FDB];
	_ =	sdelay $0x1  }
0x9b: {  	s6 =	simm.s32 $_scs_section_size  }
0x9c: {  	s7 =	simm.s32 $_size__tile_overlayer_lowered;
	s8 =	simm.s32 $_tile_overlayer_lowered  }
0x9d: {  	s22 =	simm.s32 $0x1BFF;
	s21 =	sshll.u32 s8, $0x1;
	s5 =	sadd.s32 s6, s19  }
0x9e: {  	s9 =	simm.s32 $0x0;
	s20 =	sshll.u32 s7, $0x1;
	s7 =	sadd.s32 s21, s5  }
0x9f: {  	[timem:s9], [sflag:s22] =	dma.local [hbm:s7], s20  }
0xa0: {  	_ =	swait.ge [sflag:s22], s20  }
0xa1: {  	s6 =	ssub.s32 $0x0, s20;
	[sflag:s22] =	ssyncset.done $0x0  }
0xa2: {  	[sflag:s22] =	ssyncadd.s32 s6;
	_ =	sdelay $0x1  }
0xa3: {  	s23 =	simm.s32 $0x1B8B  }
0xa4: {  	_ =	swait.ge [sflag:s23], $0x1  }
0xa5: {  	[sflag:s23] =	ssyncset.done $0x0  }
0xa6: {  	s25 =	simm.s32 $0x1B8E;
	s24 =	sld [smem:$0x3FFE];
	[sflag:s23] =	ssyncadd.s32 $0xFFFFFFFF  }
0xa7: {  	s26 =	simm.s32 $execute0_lowered;
	[smem:$0x3FD2] =	sst s25  }
0xa8: {  	s7 =	sshll.u32 s26, $0x1;
	_ =	strace $0x80000046;
	[dreg:$0x1] =	wrdreg $0xFFFFFFFF  }
0xa9: {  	s28 =	simm.s32 $_size_execute0_lowered;
	s5 =	sadd.s32 s5, s7;
	[dreg:$0x0] =	wrdreg $0x0  }
0xaa: {  	s7 =	sshll.u32 s28, $0x1;
	[dreg:$0x2] =	wrdreg s5  }
0xab: {  	[dreg:$0x3] =	wrdreg s7  }
0xac: {  	[dreg:$0x4] =	wrdreg $0xC0  }
0xad: {  	_ =	task [dreg:s9], $0x5FFFF  }
0xae: {  	[dreg:$0x1] =	wrdreg $0xFFFFFFFF  }
0xaf: {  	[dreg:$0x0] =	wrdreg $0x60  }
0xb0: {  	[dreg:$0x2] =	wrdreg s2  }
0xb1: {  	[dreg:$0x3] =	wrdreg s4  }
0xb2: {  	[dreg:$0x4] =	wrdreg s24  }
0xb3: {  	[dreg:$0x5] =	wrdreg s18  }
0xb4: {  	[dreg:$0x6] =	wrdreg $0x9  }
0xb5: {  	_ =	task.clear_ibuf [dreg:s9], $0x7FFFF;
	_ =	strace $0x90000046  }
0xb6: {  	s29 =	simm.s32 $0x9;
	_ =	strace $0x80000048  }
0xb7: {  	_ =	swait.ge [sflag:s29], $0x1  }
0xb8: {  	[sflag:s29] =	ssyncadd.s32 $0xFFFFFFFF  }
0xb9: {  	_ =	strace $0x90000048  }
0xba: {  	_ =	sfence  }
0xbb: {  	s30 =	sld [smem:$0x0];
	_ =	sdelay $0x2  }
0xbc: {  	s31 =	sshll.u32 s1, $0xD;
	s1 =	sshrl.u32 s1, $0x2  }
0xbd: {  	s3 =	sand.u32 $0x4000, s31;
	s1 =	sadd.s32 s1, s30  }
0xbe: {  	s0 =	sor.u32 s3, s0;
	s1 =	sshll.u32 s1, $0x11  }
0xbf: {  	s0 =	sor.u32 s1, s0  }
0xc0: {  	s0 =	sadd.s32 $0x8F2B, s0  }
0xc1: {  	[sflag:s0] =	ssyncadd.remote.s32 $0x1  }
0xc2: {  	_ =	sfence.sel $0xFFFF  }
0xc3: {  	[dreg:$0x0] =	wrdreg $0xFFFFFFFF;
	(pc) =	sbr.abs _section_cstart, $3  }
0xc4: {  	[dreg:$0x1] =	wrdreg $0xFFFFFFFF  }
0xc5: {  	_ =	task.clear_ibuf [dreg:s9], $0x2FFFF;
	_ =	strace $0x9FFFFFFF  }
0xc6: {  	(tm) =	ssettm $0x7FFFFFFF  }
0xc7: {  	_ =	shalt  }
tec
execute0_lowered:
.L_overlay_start_1:
0x0: {  	(tag) =	ssettag $0x1  }
0x1: {  	s0 =	rddreg [dreg:$0x0]  }
0x2: {  	s1 =	rddreg [dreg:$0x1];
	s2 =	srdreg.scid  }
0x3: {  	s3 =	stileid.u32;
	s6 =	rddreg [dreg:$0x2]  }
0x4: {  	s13 =	simm.s32 $0x80;
	s14 =	simm.s32 $0x2080;
	s16 =	simm.s32 $0x8480  }
0x5: {  	s18 =	simm.s32 $0x1;
	s21 =	simm.s32 $0x3700;
	s22 =	simm.s32 $0x6900  }
0x6: {  	s23 =	simm.s32 $0x3780;
	s24 =	simm.s32 $0x6980;
	s25 =	simm.s32 $0x3800  }
0x7: {  	s26 =	simm.s32 $0x6A00;
	s28 =	simm.s32 $0x3880;
	s29 =	simm.s32 $0x6A80  }
0x8: {  	s30 =	simm.s32 $0x3900;
	s31 =	simm.s32 $0x6B00;
	s15 =	simm.s32 $0x0  }
0x9: {  	s2 =	sand.u32 $0x1, s2;
	s3 =	sshll.u32 s3, $0x1;
	s4 =	sadd.s32 $0x18DA00, s6  }
0xa: {  	s5 =	sadd.s32 $0x251000, s6;
	s7 =	sor.u32 s2, s3;
	s3 =	simm.s32 $0x0  }
0xb: {  	s2 =	ssub.s32 $0x2, s2;
	s8 =	smul.u32 $0x320, s7;
	[smem:$0x7FF] =	sst s3  }
0xc: {  	s10 =	sshll.u32 s7, $0xA;
	s7 =	sshll.u32 s7, $0x4;
	s11 =	sshrl.u32 s2, $0x1  }
0xd: {  	_ =	strace $0x80000047;
	s10 =	sadd.s32 s10, s6;
	s12 =	sadd.s32 s7, s6  }
0xe: {  	s2 =	ssub.s32 s2, s11;
	s9 =	sadd.s32 s8, s6;
	s6 =	sadd.s32 s0, s7  }
0xf: {  	s7 =	sadd.s32 s1, s8;
	s11 =	smax.u32 s2, $0x1;
	s1 =	simm.s32 $0x2  }
0x10: {  	s0 =	simm.s32 $0x1000;
	s2 =	simm.s32 $0x6B80;
	s8 =	sadd.s32 $0xC00, s9  }
0x11: {  	s9 =	sadd.s32 $0xD400, s10;
	s10 =	sadd.s32 $0x7000, s12;
	s12 =	simm.s32 $0x3  }
.LBB2_1:
0x12: {  	[tilespmem:s3], [sflag:$0x3] =	stream.linear.gather [hbm4b:s6+s3], $0x80, $0x38;
	[tilespmem:$0x8868] =	vst v63  }
0x13: {  	_ =	swait.ge [sflag:s12], $0x80  }
0x14: {  	[sflag:s12] =	ssyncset.done $0x0  }
0x15: {  	[sflag:s12] =	ssyncadd.s32 $0xFFFFFF80  }
0x16: {  	[tilespmem:s13], [sflag:$0x2] =	stream.indirect.gather [hbm4b:s4+s13], $0x40, s3, s13, $0xb8;
	[tilespmem:$0x8868] =	vst v63  }
0x17: {  	_ = 	snop  }
0x18: {  	[tilespmem:s14], [sflag:$0x3] =	stream.linear.gather [hbm4b:s7+s3], $0x1900, $0x38;
	[tilespmem:$0x8868] =	vst v63  }
0x19: {  	_ =	swait.ge [sflag:s12], $0x1900  }
0x1a: {  	[sflag:s12] =	ssyncset.done $0x0  }
0x1b: {  	s17 =	simm.s32 $0x3980;
	[sflag:s12] =	ssyncadd.s32 $0xFFFFE700  }
0x1c: {  	[tilespmem:s17], [sflag:$0x3] =	stream.linear.gather [hbm4b:s8+s3], $0x1900, $0x38;
	[tilespmem:$0x8868] =	vst v63  }
0x1d: {  	_ =	swait.ge [sflag:s12], $0x1900  }
0x1e: {  	[sflag:s12] =	ssyncset.done $0x0  }
0x1f: {  	[sflag:s12] =	ssyncadd.s32 $0xFFFFE700  }
0x20: {  	s20 =	rddreg [dreg:$0x3]  }
0x21: {  	[tilespmem:s16], [sflag:$0x3] =	stream.linear.gather [hbm4b:s20+s3], $0x3E8, $0x38;
	[tilespmem:$0x8868] =	vst v63  }
0x22: {  	_ =	swait.ge [sflag:s12], $0x3E8  }
0x23: {  	[sflag:s12] =	ssyncset.done $0x0  }
0x24: {  	s19 =	simm.s32 $0x5280;
	[sflag:s12] =	ssyncadd.s32 $0xFFFFFC18  }
0x25: {  	[tilespmem:s19], [sflag:$0x1] =	stream.indirect.gather [hbm4b:s5+s13], $0x1, s14, s13, $0xb8;
	[tilespmem:$0x8868] =	vst v63  }
0x26: {  	s20 =	simm.s32 $0x2100;
	s19 =	simm.s32 $0x5300  }
0x27: {  	[tilespmem:s19], [sflag:$0x1] =	stream.indirect.gather [hbm4b:s5+s13], $0x1, s20, s13, $0xb8;
	[tilespmem:$0x8868] =	vst v63  }
0x28: {  	s19 =	simm.s32 $0x2180;
	s20 =	simm.s32 $0x5380  }
0x29: {  	[tilespmem:s20], [sflag:$0x1] =	stream.indirect.gather [hbm4b:s5+s13], $0x1, s19, s13, $0xb8;
	[tilespmem:$0x8868] =	vst v63  }
0x2a: {  	s19 =	simm.s32 $0x2200;
	s20 =	simm.s32 $0x5400  }
0x2b: {  	[tilespmem:s20], [sflag:$0x1] =	stream.indirect.gather [hbm4b:s5+s13], $0x1, s19, s13, $0xb8;
	[tilespmem:$0x8868] =	vst v63  }
0x2c: {  	s19 =	simm.s32 $0x2280;
	s20 =	simm.s32 $0x5480  }
0x2d: {  	[tilespmem:s20], [sflag:$0x1] =	stream.indirect.gather [hbm4b:s5+s13], $0x1, s19, s13, $0xb8;
	[tilespmem:$0x8868] =	vst v63  }
0x2e: {  	s19 =	simm.s32 $0x2300;
	s20 =	simm.s32 $0x5500  }
0x2f: {  	[tilespmem:s20], [sflag:$0x1] =	stream.indirect.gather [hbm4b:s5+s13], $0x1, s19, s13, $0xb8;
	[tilespmem:$0x8868] =	vst v63  }
0x30: {  	s19 =	simm.s32 $0x2380;
	s20 =	simm.s32 $0x5580  }
0x31: {  	[tilespmem:s20], [sflag:$0x1] =	stream.indirect.gather [hbm4b:s5+s13], $0x1, s19, s13, $0xb8;
	[tilespmem:$0x8868] =	vst v63  }
0x32: {  	s19 =	simm.s32 $0x2400;
	s20 =	simm.s32 $0x5600  }
0x33: {  	[tilespmem:s20], [sflag:$0x1] =	stream.indirect.gather [hbm4b:s5+s13], $0x1, s19, s13, $0xb8;
	[tilespmem:$0x8868] =	vst v63  }
0x34: {  	s19 =	simm.s32 $0x2480;
	s20 =	simm.s32 $0x5680  }
0x35: {  	[tilespmem:s20], [sflag:$0x1] =	stream.indirect.gather [hbm4b:s5+s13], $0x1, s19, s13, $0xb8;
	[tilespmem:$0x8868] =	vst v63  }
0x36: {  	s19 =	simm.s32 $0x2500;
	s20 =	simm.s32 $0x5700  }
0x37: {  	[tilespmem:s20], [sflag:$0x1] =	stream.indirect.gather [hbm4b:s5+s13], $0x1, s19, s13, $0xb8;
	[tilespmem:$0x8868] =	vst v63  }
0x38: {  	_ =	swait.ge [sflag:s18], $0x80  }
0x39: {  	[sflag:s18] =	ssyncset.done $0x0  }
0x3a: {  	[sflag:s18] =	ssyncadd.s32 $0xFFFFFF80  }
0x3b: {  	_ =	swait.ge [sflag:s18], $0x80  }
0x3c: {  	[sflag:s18] =	ssyncset.done $0x0  }
0x3d: {  	[sflag:s18] =	ssyncadd.s32 $0xFFFFFF80  }
0x3e: {  	_ =	swait.ge [sflag:s18], $0x80  }
0x3f: {  	[sflag:s18] =	ssyncset.done $0x0  }
0x40: {  	[sflag:s18] =	ssyncadd.s32 $0xFFFFFF80  }
0x41: {  	_ =	swait.ge [sflag:s18], $0x80  }
0x42: {  	[sflag:s18] =	ssyncset.done $0x0  }
0x43: {  	[sflag:s18] =	ssyncadd.s32 $0xFFFFFF80  }
0x44: {  	_ =	swait.ge [sflag:s18], $0x80  }
0x45: {  	[sflag:s18] =	ssyncset.done $0x0  }
0x46: {  	[sflag:s18] =	ssyncadd.s32 $0xFFFFFF80  }
0x47: {  	_ =	swait.ge [sflag:s18], $0x80  }
0x48: {  	[sflag:s18] =	ssyncset.done $0x0  }
0x49: {  	[sflag:s18] =	ssyncadd.s32 $0xFFFFFF80  }
0x4a: {  	_ =	swait.ge [sflag:s18], $0x80  }
0x4b: {  	[sflag:s18] =	ssyncset.done $0x0  }
0x4c: {  	[sflag:s18] =	ssyncadd.s32 $0xFFFFFF80  }
0x4d: {  	_ =	swait.ge [sflag:s18], $0x80  }
0x4e: {  	[sflag:s18] =	ssyncset.done $0x0  }
0x4f: {  	[sflag:s18] =	ssyncadd.s32 $0xFFFFFF80  }
0x50: {  	_ =	swait.ge [sflag:s18], $0x80  }
0x51: {  	[sflag:s18] =	ssyncset.done $0x0  }
0x52: {  	[sflag:s18] =	ssyncadd.s32 $0xFFFFFF80  }
0x53: {  	_ =	swait.ge [sflag:s18], $0x80  }
0x54: {  	[sflag:s18] =	ssyncset.done $0x0  }
0x55: {  	s19 =	simm.s32 $0x2580;
	s20 =	simm.s32 $0x5780;
	[sflag:s18] =	ssyncadd.s32 $0xFFFFFF80  }
0x56: {  	[tilespmem:s20], [sflag:$0x1] =	stream.indirect.gather [hbm4b:s5+s13], $0x1, s19, s13, $0xb8;
	[tilespmem:$0x8868] =	vst v63  }
0x57: {  	s19 =	simm.s32 $0x2600;
	s20 =	simm.s32 $0x5800  }
0x58: {  	[tilespmem:s20], [sflag:$0x1] =	stream.indirect.gather [hbm4b:s5+s13], $0x1, s19, s13, $0xb8;
	[tilespmem:$0x8868] =	vst v63  }
0x59: {  	s19 =	simm.s32 $0x2680;
	s20 =	simm.s32 $0x5880  }
0x5a: {  	[tilespmem:s20], [sflag:$0x1] =	stream.indirect.gather [hbm4b:s5+s13], $0x1, s19, s13, $0xb8;
	[tilespmem:$0x8868] =	vst v63  }
0x5b: {  	s19 =	simm.s32 $0x2700;
	s20 =	simm.s32 $0x5900  }
0x5c: {  	[tilespmem:s20], [sflag:$0x1] =	stream.indirect.gather [hbm4b:s5+s13], $0x1, s19, s13, $0xb8;
	[tilespmem:$0x8868] =	vst v63  }
0x5d: {  	s19 =	simm.s32 $0x2780;
	s20 =	simm.s32 $0x5980  }
0x5e: {  	[tilespmem:s20], [sflag:$0x1] =	stream.indirect.gather [hbm4b:s5+s13], $0x1, s19, s13, $0xb8;
	[tilespmem:$0x8868] =	vst v63  }
0x5f: {  	s19 =	simm.s32 $0x2800;
	s20 =	simm.s32 $0x5A00  }
0x60: {  	[tilespmem:s20], [sflag:$0x1] =	stream.indirect.gather [hbm4b:s5+s13], $0x1, s19, s13, $0xb8;
	[tilespmem:$0x8868] =	vst v63  }
0x61: {  	s19 =	simm.s32 $0x2880;
	s20 =	simm.s32 $0x5A80  }
0x62: {  	[tilespmem:s20], [sflag:$0x1] =	stream.indirect.gather [hbm4b:s5+s13], $0x1, s19, s13, $0xb8;
	[tilespmem:$0x8868] =	vst v63  }
0x63: {  	s19 =	simm.s32 $0x2900;
	s20 =	simm.s32 $0x5B00  }
0x64: {  	[tilespmem:s20], [sflag:$0x1] =	stream.indirect.gather [hbm4b:s5+s13], $0x1, s19, s13, $0xb8;
	[tilespmem:$0x8868] =	vst v63  }
0x65: {  	s19 =	simm.s32 $0x2980;
	s20 =	simm.s32 $0x5B80  }
0x66: {  	[tilespmem:s20], [sflag:$0x1] =	stream.indirect.gather [hbm4b:s5+s13], $0x1, s19, s13, $0xb8;
	[tilespmem:$0x8868] =	vst v63  }
0x67: {  	s19 =	simm.s32 $0x2A00;
	s20 =	simm.s32 $0x5C00  }
0x68: {  	[tilespmem:s20], [sflag:$0x1] =	stream.indirect.gather [hbm4b:s5+s13], $0x1, s19, s13, $0xb8;
	[tilespmem:$0x8868] =	vst v63  }
0x69: {  	_ =	swait.ge [sflag:s18], $0x80  }
0x6a: {  	[sflag:s18] =	ssyncset.done $0x0  }
0x6b: {  	[sflag:s18] =	ssyncadd.s32 $0xFFFFFF80  }
0x6c: {  	_ =	swait.ge [sflag:s18], $0x80  }
0x6d: {  	[sflag:s18] =	ssyncset.done $0x0  }
0x6e: {  	[sflag:s18] =	ssyncadd.s32 $0xFFFFFF80  }
0x6f: {  	_ =	swait.ge [sflag:s18], $0x80  }
0x70: {  	[sflag:s18] =	ssyncset.done $0x0  }
0x71: {  	[sflag:s18] =	ssyncadd.s32 $0xFFFFFF80  }
0x72: {  	_ =	swait.ge [sflag:s18], $0x80  }
0x73: {  	[sflag:s18] =	ssyncset.done $0x0  }
0x74: {  	[sflag:s18] =	ssyncadd.s32 $0xFFFFFF80  }
0x75: {  	_ =	swait.ge [sflag:s18], $0x80  }
0x76: {  	[sflag:s18] =	ssyncset.done $0x0  }
0x77: {  	[sflag:s18] =	ssyncadd.s32 $0xFFFFFF80  }
0x78: {  	_ =	swait.ge [sflag:s18], $0x80  }
0x79: {  	[sflag:s18] =	ssyncset.done $0x0  }
0x7a: {  	[sflag:s18] =	ssyncadd.s32 $0xFFFFFF80  }
0x7b: {  	_ =	swait.ge [sflag:s18], $0x80  }
0x7c: {  	[sflag:s18] =	ssyncset.done $0x0  }
0x7d: {  	[sflag:s18] =	ssyncadd.s32 $0xFFFFFF80  }
0x7e: {  	_ =	swait.ge [sflag:s18], $0x80  }
0x7f: {  	[sflag:s18] =	ssyncset.done $0x0  }
0x80: {  	[sflag:s18] =	ssyncadd.s32 $0xFFFFFF80  }
0x81: {  	_ =	swait.ge [sflag:s18], $0x80  }
0x82: {  	[sflag:s18] =	ssyncset.done $0x0  }
0x83: {  	[sflag:s18] =	ssyncadd.s32 $0xFFFFFF80  }
0x84: {  	_ =	swait.ge [sflag:s18], $0x80  }
0x85: {  	[sflag:s18] =	ssyncset.done $0x0  }
0x86: {  	s19 =	simm.s32 $0x2A80;
	s20 =	simm.s32 $0x5C80;
	[sflag:s18] =	ssyncadd.s32 $0xFFFFFF80  }
0x87: {  	[tilespmem:s20], [sflag:$0x1] =	stream.indirect.gather [hbm4b:s5+s13], $0x1, s19, s13, $0xb8;
	[tilespmem:$0x8868] =	vst v63  }
0x88: {  	s19 =	simm.s32 $0x2B00;
	s20 =	simm.s32 $0x5D00  }
0x89: {  	[tilespmem:s20], [sflag:$0x1] =	stream.indirect.gather [hbm4b:s5+s13], $0x1, s19, s13, $0xb8;
	[tilespmem:$0x8868] =	vst v63  }
0x8a: {  	s19 =	simm.s32 $0x2B80;
	s20 =	simm.s32 $0x5D80  }
0x8b: {  	[tilespmem:s20], [sflag:$0x1] =	stream.indirect.gather [hbm4b:s5+s13], $0x1, s19, s13, $0xb8;
	[tilespmem:$0x8868] =	vst v63  }
0x8c: {  	s19 =	simm.s32 $0x2C00;
	s20 =	simm.s32 $0x5E00  }
0x8d: {  	[tilespmem:s20], [sflag:$0x1] =	stream.indirect.gather [hbm4b:s5+s13], $0x1, s19, s13, $0xb8;
	[tilespmem:$0x8868] =	vst v63  }
0x8e: {  	s19 =	simm.s32 $0x2C80;
	s20 =	simm.s32 $0x5E80  }
0x8f: {  	[tilespmem:s20], [sflag:$0x1] =	stream.indirect.gather [hbm4b:s5+s13], $0x1, s19, s13, $0xb8;
	[tilespmem:$0x8868] =	vst v63  }
0x90: {  	s19 =	simm.s32 $0x2D00;
	s20 =	simm.s32 $0x5F00  }
0x91: {  	[tilespmem:s20], [sflag:$0x1] =	stream.indirect.gather [hbm4b:s5+s13], $0x1, s19, s13, $0xb8;
	[tilespmem:$0x8868] =	vst v63  }
0x92: {  	s19 =	simm.s32 $0x2D80;
	s20 =	simm.s32 $0x5F80  }
0x93: {  	[tilespmem:s20], [sflag:$0x1] =	stream.indirect.gather [hbm4b:s5+s13], $0x1, s19, s13, $0xb8;
	[tilespmem:$0x8868] =	vst v63  }
0x94: {  	s19 =	simm.s32 $0x2E00;
	s20 =	simm.s32 $0x6000  }
0x95: {  	[tilespmem:s20], [sflag:$0x1] =	stream.indirect.gather [hbm4b:s5+s13], $0x1, s19, s13, $0xb8;
	[tilespmem:$0x8868] =	vst v63  }
0x96: {  	s19 =	simm.s32 $0x2E80;
	s20 =	simm.s32 $0x6080  }
0x97: {  	[tilespmem:s20], [sflag:$0x1] =	stream.indirect.gather [hbm4b:s5+s13], $0x1, s19, s13, $0xb8;
	[tilespmem:$0x8868] =	vst v63  }
0x98: {  	s19 =	simm.s32 $0x2F00;
	s20 =	simm.s32 $0x6100  }
0x99: {  	[tilespmem:s20], [sflag:$0x1] =	stream.indirect.gather [hbm4b:s5+s13], $0x1, s19, s13, $0xb8;
	[tilespmem:$0x8868] =	vst v63  }
0x9a: {  	_ =	swait.ge [sflag:s18], $0x80  }
0x9b: {  	[sflag:s18] =	ssyncset.done $0x0  }
0x9c: {  	[sflag:s18] =	ssyncadd.s32 $0xFFFFFF80  }
0x9d: {  	_ =	swait.ge [sflag:s18], $0x80  }
0x9e: {  	[sflag:s18] =	ssyncset.done $0x0  }
0x9f: {  	[sflag:s18] =	ssyncadd.s32 $0xFFFFFF80  }
0xa0: {  	_ =	swait.ge [sflag:s18], $0x80  }
0xa1: {  	[sflag:s18] =	ssyncset.done $0x0  }
0xa2: {  	[sflag:s18] =	ssyncadd.s32 $0xFFFFFF80  }
0xa3: {  	_ =	swait.ge [sflag:s18], $0x80  }
0xa4: {  	[sflag:s18] =	ssyncset.done $0x0  }
0xa5: {  	[sflag:s18] =	ssyncadd.s32 $0xFFFFFF80  }
0xa6: {  	_ =	swait.ge [sflag:s18], $0x80  }
0xa7: {  	[sflag:s18] =	ssyncset.done $0x0  }
0xa8: {  	[sflag:s18] =	ssyncadd.s32 $0xFFFFFF80  }
0xa9: {  	_ =	swait.ge [sflag:s18], $0x80  }
0xaa: {  	[sflag:s18] =	ssyncset.done $0x0  }
0xab: {  	[sflag:s18] =	ssyncadd.s32 $0xFFFFFF80  }
0xac: {  	_ =	swait.ge [sflag:s18], $0x80  }
0xad: {  	[sflag:s18] =	ssyncset.done $0x0  }
0xae: {  	[sflag:s18] =	ssyncadd.s32 $0xFFFFFF80  }
0xaf: {  	_ =	swait.ge [sflag:s18], $0x80  }
0xb0: {  	[sflag:s18] =	ssyncset.done $0x0  }
0xb1: {  	[sflag:s18] =	ssyncadd.s32 $0xFFFFFF80  }
0xb2: {  	_ =	swait.ge [sflag:s18], $0x80  }
0xb3: {  	[sflag:s18] =	ssyncset.done $0x0  }
0xb4: {  	[sflag:s18] =	ssyncadd.s32 $0xFFFFFF80  }
0xb5: {  	_ =	swait.ge [sflag:s18], $0x80  }
0xb6: {  	[sflag:s18] =	ssyncset.done $0x0  }
0xb7: {  	s19 =	simm.s32 $0x2F80;
	s20 =	simm.s32 $0x6180;
	[sflag:s18] =	ssyncadd.s32 $0xFFFFFF80  }
0xb8: {  	[tilespmem:s20], [sflag:$0x1] =	stream.indirect.gather [hbm4b:s5+s13], $0x1, s19, s13, $0xb8;
	[tilespmem:$0x8868] =	vst v63  }
0xb9: {  	s19 =	simm.s32 $0x3000;
	s20 =	simm.s32 $0x6200  }
0xba: {  	[tilespmem:s20], [sflag:$0x1] =	stream.indirect.gather [hbm4b:s5+s13], $0x1, s19, s13, $0xb8;
	[tilespmem:$0x8868] =	vst v63  }
0xbb: {  	s19 =	simm.s32 $0x3080;
	s20 =	simm.s32 $0x6280  }
0xbc: {  	[tilespmem:s20], [sflag:$0x1] =	stream.indirect.gather [hbm4b:s5+s13], $0x1, s19, s13, $0xb8;
	[tilespmem:$0x8868] =	vst v63  }
0xbd: {  	s19 =	simm.s32 $0x3100;
	s20 =	simm.s32 $0x6300  }
0xbe: {  	[tilespmem:s20], [sflag:$0x1] =	stream.indirect.gather [hbm4b:s5+s13], $0x1, s19, s13, $0xb8;
	[tilespmem:$0x8868] =	vst v63  }
0xbf: {  	s19 =	simm.s32 $0x3180;
	s20 =	simm.s32 $0x6380  }
0xc0: {  	[tilespmem:s20], [sflag:$0x1] =	stream.indirect.gather [hbm4b:s5+s13], $0x1, s19, s13, $0xb8;
	[tilespmem:$0x8868] =	vst v63  }
0xc1: {  	s19 =	simm.s32 $0x3200;
	s20 =	simm.s32 $0x6400  }
0xc2: {  	[tilespmem:s20], [sflag:$0x1] =	stream.indirect.gather [hbm4b:s5+s13], $0x1, s19, s13, $0xb8;
	[tilespmem:$0x8868] =	vst v63  }
0xc3: {  	s19 =	simm.s32 $0x3280;
	s20 =	simm.s32 $0x6480  }
0xc4: {  	[tilespmem:s20], [sflag:$0x1] =	stream.indirect.gather [hbm4b:s5+s13], $0x1, s19, s13, $0xb8;
	[tilespmem:$0x8868] =	vst v63  }
0xc5: {  	s19 =	simm.s32 $0x3300;
	s20 =	simm.s32 $0x6500  }
0xc6: {  	[tilespmem:s20], [sflag:$0x1] =	stream.indirect.gather [hbm4b:s5+s13], $0x1, s19, s13, $0xb8;
	[tilespmem:$0x8868] =	vst v63  }
0xc7: {  	s19 =	simm.s32 $0x3380;
	s20 =	simm.s32 $0x6580  }
0xc8: {  	[tilespmem:s20], [sflag:$0x1] =	stream.indirect.gather [hbm4b:s5+s13], $0x1, s19, s13, $0xb8;
	[tilespmem:$0x8868] =	vst v63  }
0xc9: {  	s19 =	simm.s32 $0x3400;
	s20 =	simm.s32 $0x6600  }
0xca: {  	[tilespmem:s20], [sflag:$0x1] =	stream.indirect.gather [hbm4b:s5+s13], $0x1, s19, s13, $0xb8;
	[tilespmem:$0x8868] =	vst v63  }
0xcb: {  	_ =	swait.ge [sflag:s18], $0x80  }
0xcc: {  	[sflag:s18] =	ssyncset.done $0x0  }
0xcd: {  	[sflag:s18] =	ssyncadd.s32 $0xFFFFFF80  }
0xce: {  	_ =	swait.ge [sflag:s18], $0x80  }
0xcf: {  	[sflag:s18] =	ssyncset.done $0x0  }
0xd0: {  	[sflag:s18] =	ssyncadd.s32 $0xFFFFFF80  }
0xd1: {  	_ =	swait.ge [sflag:s18], $0x80  }
0xd2: {  	[sflag:s18] =	ssyncset.done $0x0  }
0xd3: {  	[sflag:s18] =	ssyncadd.s32 $0xFFFFFF80  }
0xd4: {  	_ =	swait.ge [sflag:s18], $0x80  }
0xd5: {  	[sflag:s18] =	ssyncset.done $0x0  }
0xd6: {  	[sflag:s18] =	ssyncadd.s32 $0xFFFFFF80  }
0xd7: {  	_ =	swait.ge [sflag:s18], $0x80  }
0xd8: {  	[sflag:s18] =	ssyncset.done $0x0  }
0xd9: {  	[sflag:s18] =	ssyncadd.s32 $0xFFFFFF80  }
0xda: {  	_ =	swait.ge [sflag:s18], $0x80  }
0xdb: {  	[sflag:s18] =	ssyncset.done $0x0  }
0xdc: {  	[sflag:s18] =	ssyncadd.s32 $0xFFFFFF80  }
0xdd: {  	_ =	swait.ge [sflag:s18], $0x80  }
0xde: {  	[sflag:s18] =	ssyncset.done $0x0  }
0xdf: {  	[sflag:s18] =	ssyncadd.s32 $0xFFFFFF80  }
0xe0: {  	_ =	swait.ge [sflag:s18], $0x80  }
0xe1: {  	[sflag:s18] =	ssyncset.done $0x0  }
0xe2: {  	[sflag:s18] =	ssyncadd.s32 $0xFFFFFF80  }
0xe3: {  	_ =	swait.ge [sflag:s18], $0x80  }
0xe4: {  	[sflag:s18] =	ssyncset.done $0x0  }
0xe5: {  	[sflag:s18] =	ssyncadd.s32 $0xFFFFFF80  }
0xe6: {  	_ =	swait.ge [sflag:s18], $0x80  }
0xe7: {  	[sflag:s18] =	ssyncset.done $0x0  }
0xe8: {  	s19 =	simm.s32 $0x3480;
	s20 =	simm.s32 $0x6680;
	[sflag:s18] =	ssyncadd.s32 $0xFFFFFF80  }
0xe9: {  	[tilespmem:s20], [sflag:$0x1] =	stream.indirect.gather [hbm4b:s5+s13], $0x1, s19, s13, $0xb8;
	[tilespmem:$0x8868] =	vst v63  }
0xea: {  	s19 =	simm.s32 $0x3500;
	s20 =	simm.s32 $0x6700  }
0xeb: {  	[tilespmem:s20], [sflag:$0x1] =	stream.indirect.gather [hbm4b:s5+s13], $0x1, s19, s13, $0xb8;
	[tilespmem:$0x8868] =	vst v63  }
0xec: {  	s19 =	simm.s32 $0x3580;
	s20 =	simm.s32 $0x6780  }
0xed: {  	[tilespmem:s20], [sflag:$0x1] =	stream.indirect.gather [hbm4b:s5+s13], $0x1, s19, s13, $0xb8;
	[tilespmem:$0x8868] =	vst v63  }
0xee: {  	s19 =	simm.s32 $0x3600;
	s20 =	simm.s32 $0x6800  }
0xef: {  	[tilespmem:s20], [sflag:$0x1] =	stream.indirect.gather [hbm4b:s5+s13], $0x1, s19, s13, $0xb8;
	[tilespmem:$0x8868] =	vst v63  }
0xf0: {  	s19 =	simm.s32 $0x3680;
	s20 =	simm.s32 $0x6880  }
0xf1: {  	[tilespmem:s20], [sflag:$0x1] =	stream.indirect.gather [hbm4b:s5+s13], $0x1, s19, s13, $0xb8;
	[tilespmem:$0x8868] =	vst v63  }
0xf2: {  	_ = 	snop  }
0xf3: {  	[tilespmem:s22], [sflag:$0x1] =	stream.indirect.gather [hbm4b:s5+s13], $0x1, s21, s13, $0xb8;
	[tilespmem:$0x8868] =	vst v63  }
0xf4: {  	_ = 	snop  }
0xf5: {  	[tilespmem:s24], [sflag:$0x1] =	stream.indirect.gather [hbm4b:s5+s13], $0x1, s23, s13, $0xb8;
	[tilespmem:$0x8868] =	vst v63  }
0xf6: {  	_ = 	snop  }
0xf7: {  	[tilespmem:s26], [sflag:$0x1] =	stream.indirect.gather [hbm4b:s5+s13], $0x1, s25, s13, $0xb8;
	[tilespmem:$0x8868] =	vst v63  }
0xf8: {  	_ = 	snop  }
0xf9: {  	[tilespmem:s29], [sflag:$0x1] =	stream.indirect.gather [hbm4b:s5+s13], $0x1, s28, s13, $0xb8;
	[tilespmem:$0x8868] =	vst v63  }
0xfa: {  	_ = 	snop  }
0xfb: {  	[tilespmem:s31], [sflag:$0x1] =	stream.indirect.gather [hbm4b:s5+s13], $0x1, s30, s13, $0xb8;
	[tilespmem:$0x8868] =	vst v63  }
0xfc: {  	_ =	swait.ge [sflag:s18], $0x80  }
0xfd: {  	[sflag:s18] =	ssyncset.done $0x0  }
0xfe: {  	[sflag:s18] =	ssyncadd.s32 $0xFFFFFF80  }
0xff: {  	_ =	swait.ge [sflag:s18], $0x80  }
0x100: {  	[sflag:s18] =	ssyncset.done $0x0  }
0x101: {  	[sflag:s18] =	ssyncadd.s32 $0xFFFFFF80  }
0x102: {  	_ =	swait.ge [sflag:s18], $0x80  }
0x103: {  	[sflag:s18] =	ssyncset.done $0x0  }
0x104: {  	[sflag:s18] =	ssyncadd.s32 $0xFFFFFF80  }
0x105: {  	_ =	swait.ge [sflag:s18], $0x80  }
0x106: {  	[sflag:s18] =	ssyncset.done $0x0  }
0x107: {  	[sflag:s18] =	ssyncadd.s32 $0xFFFFFF80  }
0x108: {  	_ =	swait.ge [sflag:s18], $0x80  }
0x109: {  	[sflag:s18] =	ssyncset.done $0x0  }
0x10a: {  	[sflag:s18] =	ssyncadd.s32 $0xFFFFFF80  }
0x10b: {  	_ =	swait.ge [sflag:s18], $0x80  }
0x10c: {  	[sflag:s18] =	ssyncset.done $0x0  }
0x10d: {  	[sflag:s18] =	ssyncadd.s32 $0xFFFFFF80  }
0x10e: {  	_ =	swait.ge [sflag:s18], $0x80  }
0x10f: {  	[sflag:s18] =	ssyncset.done $0x0  }
0x110: {  	[sflag:s18] =	ssyncadd.s32 $0xFFFFFF80  }
0x111: {  	_ =	swait.ge [sflag:s18], $0x80  }
0x112: {  	[sflag:s18] =	ssyncset.done $0x0  }
0x113: {  	[sflag:s18] =	ssyncadd.s32 $0xFFFFFF80  }
0x114: {  	_ =	swait.ge [sflag:s18], $0x80  }
0x115: {  	[sflag:s18] =	ssyncset.done $0x0  }
0x116: {  	[sflag:s18] =	ssyncadd.s32 $0xFFFFFF80  }
0x117: {  	_ =	swait.ge [sflag:s18], $0x80  }
0x118: {  	[sflag:s18] =	ssyncset.done $0x0  }
0x119: {  	[sflag:s18] =	ssyncadd.s32 $0xFFFFFF80  }
0x11a: {  	_ =	swait.ge [sflag:s1], $0x2000  }
0x11b: {  	[sflag:s1] =	ssyncset.done $0x0  }
0x11c: {  	[sflag:s1] =	ssyncadd.s32 $0xFFFFE000  }
0x11d: {  	[hbm4b:s9+s3] =	stream.linear.scatter [tilespmem:s13], [sflag:$0x3], $0x2000, $0x38;
	[tilespmem:$0x8868] =	vst v63  }
0x11e: {  	_ =	swait.ge [sflag:s12], $0x2000  }
0x11f: {  	[sflag:s12] =	ssyncset.done $0x0  }
0x120: {  	s17 =	simm.s32 $0x0;
	[sflag:s12] =	ssyncadd.s32 $0xFFFFE000  }
0x121: {  	v1 =	vld [tilespmem:s17+$0x3980];
	_ =	sdelay $0x6  }
0x122: {  	v0 =	vld [tilespmem:s17+$0x5280]  }
0x123: {  	s19 =	simm.s32 $0x10;
	s20 =	simm.s32 $0x80;
	v1 =	vld.idx.msk [tilespmem:v1+s16+$0x0], $0xffff  }
.LBB2_2:
0x124: {  	p0 =	sne.s32 s20, $0x63C0;
	v2 =	vld [tilespmem:s19+$0x3980];
	_ =	sdelay $0x3  }
.Ltmp0:
0x125: {  	(pc) =	sbr.rel @p0 .LBB2_2-.Ltmp0, $3  }
0x126: {  	v1 =	vadd.f32 v0, v1;
	_ =	sdelay $0x1  }
0x127: {  	v0 =	vld [tilespmem:s19+$0x5280];
	[tilespmem:s17+$0x6B80] =	vst v1;
	s17 =	smov.u32 s19  }
0x128: {  	s19 =	sshra.s32 s20, $0x2;
	s20 =	sadd.s32 $0x40, s20;
	v1 =	vld.idx.msk [tilespmem:v2+s16+$0x0], $0xffff  }
0x129: {  	v2 =	vld [tilespmem:s19+$0x3980];
	_ =	sdelay $0x4  }
0x12a: {  	v0 =	vadd.f32 v0, v1;
	_ =	sdelay $0x1  }
0x12b: {  	v63 =	vld [tilespmem:s19+$0x5280];
	[tilespmem:s17+$0x6B80] =	vst v0  }
0x12c: {  	v0 =	vld.idx.msk [tilespmem:v2+s16+$0x0], $0xffff;
	_ =	sdelay $0x4  }
0x12d: {  	s15 =	sadd.s32 $0x1, s15;
	v0 =	vadd.f32 v63, v0  }
0x12e: {  	p0 =	sne.s32 s15, s11  }
.Ltmp1:
0x12f: {  	[tilespmem:s19+$0x6B80] =	vst v0;
	(pc) =	sbr.rel @p0 .LBB2_1-.Ltmp1, $4  }
0x130: {  	[hbm4b:s10+s13] =	stream.strided.scatter [tilespmem:s2], [sflag:$0x3], $0x1900, s0, s13, $0x38;
	[tilespmem:$0x8868] =	vst v63  }
0x131: {  	_ =	swait.ge [sflag:s12], $0x1900  }
0x132: {  	[sflag:s12] =	ssyncset.done $0x0  }
0x133: {  	[sflag:s12] =	ssyncadd.s32 $0xFFFFE700  }
0x134: {  	_ =	sfence.sel $0x180000  }
0x135: {  	[bflag:$0x0] =	sbarrier.arrive $0xFFFF  }
0x136: {  	_ =	strace $0x90000047  }
0x137: {  	s0 =	stileid.u32;
	[bflag:$0x2] =	sbarrier.arrive $0xFFFF  }
0x138: {  	p0 =	sne.s32 s0, $0x0;
	s0 =	rddreg [dreg:$0x4]  }
0x139: {  	s0 =	sadd.s32 @!p0 $0x100000, s0  }
0x13a: {  	[sflag:s0] =	ssyncadd.tile.s32 @!p0 $0x1;
	_ =	shalt  }
.Lfunc_end2:
_tile_overlayer_lowered:
.L_overlay_start_2:
0x13b: {  	(tag) =	ssettag $0x2  }
0x13c: {  	s0 =	rddreg [dreg:$0x0];
	s2 =	stileid.u32  }
0x13d: {  	s1 =	rddreg [dreg:$0x1];
	p0 =	sne.s32 s2, $0x0  }
0x13e: {  	s3 =	rddreg [dreg:$0x2];
	[bflag:$0x3] =	sbarrier.arrive $0xFFFF;
	s2 =	simm.s32 @!p0 $0x1C03  }
0x13f: {  	[timem:s3], [sflag:s2] =	dma.local @!p0 [hbm:s0], s1  }
0x140: {  	s0 =	simm.s32 @!p0 $0x3  }
0x141: {  	_ =	swait.ge @!p0 [sflag:s0], s1  }
0x142: {  	s1 =	ssub.s32 @!p0 $0x0, s1;
	[sflag:s0] =	ssyncset.done @!p0 $0x0  }
0x143: {  	[sflag:s0] =	ssyncadd.s32 @!p0 s1  }
0x144: {  	[bflag:$0x3] =	sbarrier.arrive $0xFFFF  }
0x145: {  	_ =	shalt  }

</sc_bundles>
